<compile_context>
chip_gen: v7x
topology: tpu7x:2x2x1
jax: 0.10.2.dev20260603
libtpu: 0.0.44.dev20260713+nightly
codegen_flags: <defaults>
</compile_context>

<pallas_src>
import functools

import jax
import jax.numpy as jnp
from jax import lax
from jax.experimental import pallas as pl
from jax.experimental.pallas import tpu as pltpu
from jax.experimental.pallas import tpu_sc as plsc

IN_DIM = 4096
OUT_DIM = 8192
BATCH = 4096

NC = 2
NS = 16
NW = NC * NS
L = 16

ROWS_PER_TILE = BATCH // NW
R = 8
NBLK = ROWS_PER_TILE // R
S = 2048
NSTRIP = OUT_DIM // S
CPS = S // L
CW = 128
NCW = OUT_DIM // CW


def _round_bf16_bits(v):
    bits = plsc.bitcast(v, jnp.uint32)
    return lax.shift_right_logical(bits + jnp.uint32(0x8000),
                                   jnp.uint32(16))


def _coef_body(w_cols):
    m = w_cols[0]
    for g in range(1, 16):
        m = jnp.maximum(m, w_cols[g])
    e = [jnp.exp(w_cols[g] - m) for g in range(16)]
    s = e[0]
    for g in range(1, 16):
        s = s + e[g]
    inv = 1.0 / s
    ca = (e[2] + e[3]) + (e[6] + e[7]) - (e[8] + e[9]) - (e[12] + e[13])
    cb = (e[4] + e[5]) + (e[6] + e[7]) - (e[8] + e[9]) - (e[10] + e[11])
    cab = (e[1] - e[2]) - (e[4] + e[7]) - 2.0 * (e[6] - e[9]) \
        + (e[8] + e[11]) + (e[13] - e[14])
    c0 = (e[8] + e[9]) + (e[10] + e[11]) + (e[12] + e[13]) + (e[14] + e[15])
    return c0 * inv, ca * inv, cb * inv, cab * inv


def _unpack_pair(pk):
    lo = plsc.bitcast(lax.shift_left(pk, jnp.uint32(16)), jnp.float32)
    hi = plsc.bitcast(pk & jnp.uint32(0xFFFF0000), jnp.float32)
    return lo, hi


SLC = OUT_DIM // NS


def _tec_body(x_hbm, wt_hbm, ia_hbm, ib_hbm, out_hbm,
              iab_v, stage_v, cp0_v, cp1_v, wbuf_v, xblk2_v, obuf_v,
              iab_s, cp0_s, cp1_s, sem_x, sem_o):
    cid = lax.axis_index("c")
    sid = lax.axis_index("s")
    wid = sid * NC + cid
    row0 = wid * ROWS_PER_TILE

    pltpu.async_copy(x_hbm.at[pl.ds(row0, R)], xblk2_v.at[0], sem_x)

    off = sid * SLC

    pltpu.sync_copy(ia_hbm.at[pl.ds(off, SLC)], iab_v.at[pl.ds(off, SLC)])
    pltpu.sync_copy(ib_hbm.at[pl.ds(off, SLC)], stage_v)

    def pack_idx(j, carry):
        ds = pl.ds(off + j * L, L)
        iab_v[ds] = iab_v[ds] | \
            lax.shift_left(stage_v[pl.ds(j * L, L)], 16)
        return carry

    lax.fori_loop(0, SLC // L, pack_idx, 0)
    pltpu.sync_copy(iab_v.at[pl.ds(off, SLC)], iab_s.at[pl.ds(off, SLC)])

    def coef_chunk(k, carry):
        c = sid * (SLC // CW) + k
        pltpu.sync_copy(wt_hbm.at[:, pl.ds(c * CW, CW)], wbuf_v)

        def coef_group(j, carry2):
            w_cols = [wbuf_v[g, pl.ds(j * L, L)] for g in range(16)]
            c0, ca, cb, cab = _coef_body(w_cols)
            base = pl.ds(c * CW + j * L, L)
            cp0_v[base] = _round_bf16_bits(c0) | \
                lax.shift_left(_round_bf16_bits(ca), jnp.uint32(16))
            cp1_v[base] = _round_bf16_bits(cb) | \
                lax.shift_left(_round_bf16_bits(cab), jnp.uint32(16))
            return carry2

        lax.fori_loop(0, CW // L, coef_group, 0)
        return carry

    lax.fori_loop(0, SLC // CW, coef_chunk, 0)
    pltpu.sync_copy(cp0_v.at[pl.ds(off, SLC)], cp0_s.at[pl.ds(off, SLC)])
    pltpu.sync_copy(cp1_v.at[pl.ds(off, SLC)], cp1_s.at[pl.ds(off, SLC)])

    plsc.subcore_barrier()

    pltpu.sync_copy(iab_s, iab_v)
    pltpu.sync_copy(cp0_s, cp0_v)
    pltpu.sync_copy(cp1_s, cp1_v)


    def row_block(blk, carry):
        px = blk & 1
        rbase = row0 + blk * R
        pltpu.make_async_copy(
            x_hbm.at[pl.ds(rbase, R)], xblk2_v.at[px], sem_x).wait()

        @pl.when(blk + 1 < NBLK)
        def _():
            pltpu.async_copy(
                x_hbm.at[pl.ds(rbase + R, R)], xblk2_v.at[1 - px], sem_x)

        pxv = jnp.broadcast_to(px, (L,)).astype(jnp.int32)

        def strip(st, carry2):
            pb = st & 1
            gst = blk * NSTRIP + st
            obase = st * S

            @pl.when(gst >= 2)
            def _():
                pltpu.make_async_copy(
                    obuf_v.at[pb],
                    out_hbm.at[pl.ds(rbase, R), pl.ds(obase, S)],
                    sem_o).wait()

            @plsc.parallel_loop(0, CPS, 1, unroll=2)
            def chunk(oc):
                ds = pl.ds(obase + oc * L, L)
                pk = iab_v[ds]
                ia = pk & jnp.int32(0xFFFF)
                ib = lax.shift_right_logical(pk, 16)
                c0, ca = _unpack_pair(cp0_v[ds])
                cb, cab = _unpack_pair(cp1_v[ds])
                for r in range(R):
                    rv = jnp.full((L,), r, dtype=jnp.int32)
                    a = plsc.load_gather(xblk2_v, [pxv, rv, ia])
                    b = plsc.load_gather(xblk2_v, [pxv, rv, ib])
                    obuf_v[pb, r, pl.ds(oc * L, L)] = \
                        (c0 + ca * a) + (cb + cab * a) * b

            pltpu.async_copy(
                obuf_v.at[pb],
                out_hbm.at[pl.ds(rbase, R), pl.ds(obase, S)],
                sem_o)
            return carry2

        lax.fori_loop(0, NSTRIP, strip, 0)
        return carry

    lax.fori_loop(0, NBLK, row_block, 0)

    for _ in range(2):
        pltpu.make_async_copy(
            obuf_v.at[0],
            out_hbm.at[pl.ds(row0, R), pl.ds(0, S)],
            sem_o).wait()


@jax.jit
def _logic_layer_sc(x, wt, idx_a, idx_b):
    mesh = plsc.VectorSubcoreMesh(core_axis_name="c", subcore_axis_name="s")
    f = functools.partial(
        pl.kernel,
        mesh=mesh,
        compiler_params=pltpu.CompilerParams(needs_layout_passes=False),
        out_type=jax.ShapeDtypeStruct((BATCH, OUT_DIM), jnp.float32),
        scratch_types=[
            pltpu.VMEM((OUT_DIM,), jnp.int32),
            pltpu.VMEM((SLC,), jnp.int32),
            pltpu.VMEM((OUT_DIM,), jnp.uint32),
            pltpu.VMEM((OUT_DIM,), jnp.uint32),
            pltpu.VMEM((16, CW), jnp.float32),
            pltpu.VMEM((2, R, IN_DIM), jnp.float32),
            pltpu.VMEM((2, R, S), jnp.float32),
            pltpu.VMEM_SHARED((OUT_DIM,), jnp.int32),
            pltpu.VMEM_SHARED((OUT_DIM,), jnp.uint32),
            pltpu.VMEM_SHARED((OUT_DIM,), jnp.uint32),
            pltpu.SemaphoreType.DMA,
            pltpu.SemaphoreType.DMA,
        ],
    )(_tec_body)
    return f(x, wt, idx_a, idx_b)


def kernel(x, weights, idx_a, idx_b):
    wt = jnp.transpose(weights)
    return _logic_layer_sc(x, wt, idx_a, idx_b)

# --- scband reference (transcript-rebuilt; emitter-appended) ---
"""Pipeline reference for scband-logic-layer-82789789597761 (READ-ONLY COPY).

The authoritative reference and input builder live on the scoring server;
editing this copy changes nothing except your own understanding.
"""

import jax, jax.numpy as jnp
import numpy as np

IN_DIM = 4096
OUT_DIM = 8192
BATCH = 4096


def setup_inputs(seed: int = 0) -> dict:
    key = jax.random.key(seed)
    k1, k2, k3, k4 = jax.random.split(key, 4)
    x = jax.random.uniform(k1, (BATCH, IN_DIM), dtype=jnp.float32)
    weights = jax.random.normal(k2, (OUT_DIM, 16), dtype=jnp.float32)
    # get_connections('random'):
    #   c = randperm(2*out_dim) % in_dim ; c = randperm(in_dim)[c] ; c = c.reshape(2, out_dim)
    c = jax.random.permutation(k3, 2 * OUT_DIM) % IN_DIM
    perm = jax.random.permutation(k4, IN_DIM)
    c = perm[c].reshape(2, OUT_DIM)
    return {
        "x": x,
        "weights": weights,
        "idx_a": c[0].astype(jnp.int32),
        "idx_b": c[1].astype(jnp.int32),
    }


def reference(x, weights, idx_a, idx_b):
    # Differentiable logic gate layer (soft / training mode):
    # each output neuron gathers two wired inputs (a, b) and computes a
    # softmax-weighted mixture over the 16 possible binary logic gates.
    a = jnp.take(x, idx_a, axis=-1)  # [B, out_dim]
    b = jnp.take(x, idx_b, axis=-1)  # [B, out_dim]
    probs = jax.nn.softmax(weights, axis=-1)  # [out_dim, 16]
    ab = a * b
    out = probs[:, 0] * jnp.zeros_like(a)           # 0: FALSE
    out = out + probs[:, 1] * ab                    # 1: a AND b
    out = out + probs[:, 2] * (a - ab)              # 2: a AND NOT b
    out = out + probs[:, 3] * a                     # 3: a
    out = out + probs[:, 4] * (b - ab)              # 4: NOT a AND b
    out = out + probs[:, 5] * b                     # 5: b
    out = out + probs[:, 6] * (a + b - 2.0 * ab)    # 6: a XOR b
    out = out + probs[:, 7] * (a + b - ab)          # 7: a OR b
    out = out + probs[:, 8] * (1.0 - (a + b - ab))  # 8: NOR
    out = out + probs[:, 9] * (1.0 - (a + b - 2.0 * ab))  # 9: XNOR
    out = out + probs[:, 10] * (1.0 - b)            # 10: NOT b
    out = out + probs[:, 11] * (1.0 - b + ab)       # 11: a OR NOT b
    out = out + probs[:, 12] * (1.0 - a)            # 12: NOT a
    out = out + probs[:, 13] * (1.0 - a + ab)       # 13: NOT a OR b
    out = out + probs[:, 14] * (1.0 - ab)           # 14: NAND
    out = out + probs[:, 15] * jnp.ones_like(a)     # 15: TRUE
    return out

if __name__ == "__main__":
    import jax
    _d = setup_inputs()
    print(jax.jit(kernel)(*tuple(_d.values())))

</pallas_src>

<mosaic_0001>
#map = affine_map<(d0, d1) -> (0, 0)>
#map1 = affine_map<(d0, d1) -> (0)>
module attributes {stable_mosaic.version = 14 : i64} {
  func.func @_tec_body(%arg0: i32, %arg1: i32, %arg2: memref<4096x4096xf32, #tpu.memory_space<hbm>>, %arg3: memref<16x8192xf32, #tpu.memory_space<hbm>>, %arg4: memref<8192xi32, #tpu.memory_space<hbm>>, %arg5: memref<8192xi32, #tpu.memory_space<hbm>>, %arg6: memref<4096x8192xf32, #tpu.memory_space<hbm>>, %arg7: memref<8192xi32, #tpu.memory_space<vmem>>, %arg8: memref<512xi32, #tpu.memory_space<vmem>>, %arg9: memref<8192xi32, #tpu.memory_space<vmem>>, %arg10: memref<8192xi32, #tpu.memory_space<vmem>>, %arg11: memref<16x128xf32, #tpu.memory_space<vmem>>, %arg12: memref<2x8x4096xf32, #tpu.memory_space<vmem>>, %arg13: memref<2x8x2048xf32, #tpu.memory_space<vmem>>, %arg14: memref<8192xi32, #tpu.memory_space<vmem_shared>>, %arg15: memref<8192xi32, #tpu.memory_space<vmem_shared>>, %arg16: memref<8192xi32, #tpu.memory_space<vmem_shared>>, %arg17: memref<!tpu.dma_semaphore, #tpu.memory_space<semaphore_mem>>, %arg18: memref<!tpu.dma_semaphore, #tpu.memory_space<semaphore_mem>>) attributes {dimension_semantics = [#tpu.dimension_semantics<core_parallel>, #tpu.dimension_semantics<subcore_parallel>], iteration_bounds = array<i64: 2, 16>, scalar_prefetch = 0 : i64, scratch_operands = 12 : i64, tpu.core_type = #tpu.core_type<sc_vector_subcore>, window_params = [{transform_indices = #map}, {transform_indices = #map}, {transform_indices = #map1}, {transform_indices = #map1}, {transform_indices = #map}]} {
    %mul3A = arith.constant 2 : i32
    %mul3A_0 = arith.muli %arg1, %mul3A : i32
    %add3A = arith.addi %mul3A_0, %arg0 : i32
    %mul3A_1 = arith.constant 128 : i32
    %mul3A_2 = arith.muli %add3A, %mul3A_1 : i32
    %dma_start3A = arith.constant 0 : i32
    %dma_start3A_3 = arith.constant 0 : i32
    %dma_start3A_4 = arith.constant 0 : i32
    %dma_start3A_5 = tpu.memref_slice %arg12[%dma_start3A, %dma_start3A_3, %dma_start3A_4] : memref<2x8x4096xf32, #tpu.memory_space<vmem>> -> memref<1x8x4096xf32, #tpu.memory_space<vmem>>
    %dma_start3A_6 = tpu.memref_squeeze %dma_start3A_5 : memref<1x8x4096xf32, #tpu.memory_space<vmem>> -> memref<8x4096xf32, #tpu.memory_space<vmem>>
    %dma_start3A_7 = arith.constant 0 : i32
    %dma_start3A_8 = tpu.memref_slice %arg2[%mul3A_2, %dma_start3A_7] : memref<4096x4096xf32, #tpu.memory_space<hbm>> -> memref<8x4096xf32, #tpu.memory_space<hbm>>
    %dma_start3A_9 = arith.constant 0 : i32
    %dma_start3A_10 = arith.constant 0 : i32
    %dma_start3A_11 = tpu.memref_slice %arg12[%dma_start3A, %dma_start3A_9, %dma_start3A_10] : memref<2x8x4096xf32, #tpu.memory_space<vmem>> -> memref<1x8x4096xf32, #tpu.memory_space<vmem>>
    %dma_start3A_12 = tpu.memref_squeeze %dma_start3A_11 : memref<1x8x4096xf32, #tpu.memory_space<vmem>> -> memref<8x4096xf32, #tpu.memory_space<vmem>>
    %dma_start3A_13 = arith.constant 0 : i32
    %dma_start3A_14 = tpu.memref_slice %arg2[%mul3A_2, %dma_start3A_13] : memref<4096x4096xf32, #tpu.memory_space<hbm>> -> memref<8x4096xf32, #tpu.memory_space<hbm>>
    tpu.enqueue_dma source(%dma_start3A_14 : memref<8x4096xf32, #tpu.memory_space<hbm>>) target(%dma_start3A_12 : memref<8x4096xf32, #tpu.memory_space<vmem>>) target_semaphore(%arg17 : memref<!tpu.dma_semaphore, #tpu.memory_space<semaphore_mem>>)
    %mul3A_15 = arith.constant 512 : i32
    %mul3A_16 = arith.muli %arg1, %mul3A_15 : i32
    "tpu.region"() ({
      %run_scoped3A = tpu.sem_alloc : memref<!tpu.dma_semaphore, #tpu.memory_space<semaphore_mem>>
      %dma_start3A_59 = tpu.memref_slice %arg7[%mul3A_16] : memref<8192xi32, #tpu.memory_space<vmem>> -> memref<512xi32, #tpu.memory_space<vmem>>
      %dma_start3A_60 = tpu.memref_slice %arg4[%mul3A_16] : memref<8192xi32, #tpu.memory_space<hbm>> -> memref<512xi32, #tpu.memory_space<hbm>>
      %dma_start3A_61 = tpu.memref_slice %arg7[%mul3A_16] : memref<8192xi32, #tpu.memory_space<vmem>> -> memref<512xi32, #tpu.memory_space<vmem>>
      %dma_start3A_62 = tpu.memref_slice %arg4[%mul3A_16] : memref<8192xi32, #tpu.memory_space<hbm>> -> memref<512xi32, #tpu.memory_space<hbm>>
      tpu.enqueue_dma source(%dma_start3A_62 : memref<512xi32, #tpu.memory_space<hbm>>) target(%dma_start3A_61 : memref<512xi32, #tpu.memory_space<vmem>>) target_semaphore(%run_scoped3A : memref<!tpu.dma_semaphore, #tpu.memory_space<semaphore_mem>>)
      %dma_wait3A_63 = tpu.memref_slice %arg7[%mul3A_16] : memref<8192xi32, #tpu.memory_space<vmem>> -> memref<512xi32, #tpu.memory_space<vmem>>
      %dma_wait3A_64 = tpu.memref_slice %arg4[%mul3A_16] : memref<8192xi32, #tpu.memory_space<hbm>> -> memref<512xi32, #tpu.memory_space<hbm>>
      %dma_wait3A_65 = tpu.memref_slice %arg7[%mul3A_16] : memref<8192xi32, #tpu.memory_space<vmem>> -> memref<512xi32, #tpu.memory_space<vmem>>
      %dma_wait3A_66 = tpu.memref_slice %arg4[%mul3A_16] : memref<8192xi32, #tpu.memory_space<hbm>> -> memref<512xi32, #tpu.memory_space<hbm>>
      tpu.wait_dma2 semaphore(%run_scoped3A : memref<!tpu.dma_semaphore, #tpu.memory_space<semaphore_mem>>) src(%dma_wait3A_66 : memref<512xi32, #tpu.memory_space<hbm>>) dst(%dma_wait3A_65 : memref<512xi32, #tpu.memory_space<vmem>>)
      tpu.yield
    }) : () -> ()
    "tpu.region"() ({
      %run_scoped3A = tpu.sem_alloc : memref<!tpu.dma_semaphore, #tpu.memory_space<semaphore_mem>>
      %dma_start3A_59 = tpu.memref_slice %arg5[%mul3A_16] : memref<8192xi32, #tpu.memory_space<hbm>> -> memref<512xi32, #tpu.memory_space<hbm>>
      %dma_start3A_60 = tpu.memref_slice %arg5[%mul3A_16] : memref<8192xi32, #tpu.memory_space<hbm>> -> memref<512xi32, #tpu.memory_space<hbm>>
      tpu.enqueue_dma source(%dma_start3A_60 : memref<512xi32, #tpu.memory_space<hbm>>) target(%arg8 : memref<512xi32, #tpu.memory_space<vmem>>) target_semaphore(%run_scoped3A : memref<!tpu.dma_semaphore, #tpu.memory_space<semaphore_mem>>)
      %dma_wait3A_61 = tpu.memref_slice %arg5[%mul3A_16] : memref<8192xi32, #tpu.memory_space<hbm>> -> memref<512xi32, #tpu.memory_space<hbm>>
      %dma_wait3A_62 = tpu.memref_slice %arg5[%mul3A_16] : memref<8192xi32, #tpu.memory_space<hbm>> -> memref<512xi32, #tpu.memory_space<hbm>>
      tpu.wait_dma2 semaphore(%run_scoped3A : memref<!tpu.dma_semaphore, #tpu.memory_space<semaphore_mem>>) src(%dma_wait3A_62 : memref<512xi32, #tpu.memory_space<hbm>>) dst(%arg8 : memref<512xi32, #tpu.memory_space<vmem>>)
      tpu.yield
    }) : () -> ()
    %scan3A = arith.constant 0 : i32
    %scan3A_17 = arith.constant 0 : i32
    %scan3A_18 = arith.constant 32 : i32
    %scan3A_19 = arith.addi %scan3A_17, %scan3A_18 : i32
    %scan3A_20 = arith.constant 1 : i32
    scf.for %scan3A_59 = %scan3A_17 to %scan3A_19 step %scan3A_20  : i32 {
      %mul3A_60 = arith.constant 16 : i32
      %mul3A_61 = arith.muli %scan3A_59, %mul3A_60 : i32
      %add3A_62 = arith.addi %mul3A_16, %mul3A_61 : i32
      %get3A = arith.index_cast %add3A_62 : i32 to index
      %get3A_63 = tpu.vector_load %arg7[%get3A] {strides = array<i32>} : memref<8192xi32, #tpu.memory_space<vmem>>, vector<16xi32>,
      %mul3A_64 = arith.constant 16 : i32
      %mul3A_65 = arith.muli %scan3A_59, %mul3A_64 : i32
      %get3A_66 = arith.index_cast %mul3A_65 : i32 to index
      %get3A_67 = tpu.vector_load %arg8[%get3A_66] {strides = array<i32>} : memref<512xi32, #tpu.memory_space<vmem>>, vector<16xi32>,
      %shift_left3A = arith.constant 16 : i32
      %shift_left3A_68 = vector.broadcast %shift_left3A : i32 to vector<16xi32>
      %shift_left3A_69 = arith.shli %get3A_67, %shift_left3A_68 : vector<16xi32>
      %or3A = arith.ori %get3A_63, %shift_left3A_69 : vector<16xi32>
      %swap3A = arith.index_cast %add3A_62 : i32 to index
      %swap3A_70 = tpu.vector_load %arg7[%swap3A] {strides = array<i32>} : memref<8192xi32, #tpu.memory_space<vmem>>, vector<16xi32>,
      tpu.vector_store %arg7[%swap3A], %or3A {strides = array<i32>} : memref<8192xi32, #tpu.memory_space<vmem>>, vector<16xi32>,
    }
    %scan3A_21 = arith.constant 32 : i32
    "tpu.region"() ({
      %run_scoped3A = tpu.sem_alloc : memref<!tpu.dma_semaphore, #tpu.memory_space<semaphore_mem>>
      %dma_start3A_59 = tpu.memref_slice %arg7[%mul3A_16] : memref<8192xi32, #tpu.memory_space<vmem>> -> memref<512xi32, #tpu.memory_space<vmem>>
      %dma_start3A_60 = tpu.memref_slice %arg14[%mul3A_16] : memref<8192xi32, #tpu.memory_space<vmem_shared>> -> memref<512xi32, #tpu.memory_space<vmem_shared>>
      %dma_start3A_61 = tpu.memref_slice %arg14[%mul3A_16] : memref<8192xi32, #tpu.memory_space<vmem_shared>> -> memref<512xi32, #tpu.memory_space<vmem_shared>>
      %dma_start3A_62 = tpu.memref_slice %arg7[%mul3A_16] : memref<8192xi32, #tpu.memory_space<vmem>> -> memref<512xi32, #tpu.memory_space<vmem>>
      tpu.enqueue_dma source(%dma_start3A_62 : memref<512xi32, #tpu.memory_space<vmem>>) target(%dma_start3A_61 : memref<512xi32, #tpu.memory_space<vmem_shared>>) target_semaphore(%run_scoped3A : memref<!tpu.dma_semaphore, #tpu.memory_space<semaphore_mem>>)
      %dma_wait3A_63 = tpu.memref_slice %arg7[%mul3A_16] : memref<8192xi32, #tpu.memory_space<vmem>> -> memref<512xi32, #tpu.memory_space<vmem>>
      %dma_wait3A_64 = tpu.memref_slice %arg14[%mul3A_16] : memref<8192xi32, #tpu.memory_space<vmem_shared>> -> memref<512xi32, #tpu.memory_space<vmem_shared>>
      %dma_wait3A_65 = tpu.memref_slice %arg14[%mul3A_16] : memref<8192xi32, #tpu.memory_space<vmem_shared>> -> memref<512xi32, #tpu.memory_space<vmem_shared>>
      %dma_wait3A_66 = tpu.memref_slice %arg7[%mul3A_16] : memref<8192xi32, #tpu.memory_space<vmem>> -> memref<512xi32, #tpu.memory_space<vmem>>
      tpu.wait_dma2 semaphore(%run_scoped3A : memref<!tpu.dma_semaphore, #tpu.memory_space<semaphore_mem>>) src(%dma_wait3A_66 : memref<512xi32, #tpu.memory_space<vmem>>) dst(%dma_wait3A_65 : memref<512xi32, #tpu.memory_space<vmem_shared>>)
      tpu.yield
    }) : () -> ()
    %scan3A_22 = arith.constant 0 : i32
    %scan3A_23 = arith.constant 0 : i32
    %scan3A_24 = arith.constant 4 : i32
    %scan3A_25 = arith.addi %scan3A_23, %scan3A_24 : i32
    %scan3A_26 = arith.constant 1 : i32
    scf.for %scan3A_59 = %scan3A_23 to %scan3A_25 step %scan3A_26  : i32 {
      %mul3A_60 = arith.constant 4 : i32
      %mul3A_61 = arith.muli %arg1, %mul3A_60 : i32
      %add3A_62 = arith.addi %mul3A_61, %scan3A_59 : i32
      %mul3A_63 = arith.constant 128 : i32
      %mul3A_64 = arith.muli %add3A_62, %mul3A_63 : i32
      "tpu.region"() ({
        %run_scoped3A = tpu.sem_alloc : memref<!tpu.dma_semaphore, #tpu.memory_space<semaphore_mem>>
        %dma_start3A_71 = arith.constant 0 : i32
        %dma_start3A_72 = tpu.memref_slice %arg3[%dma_start3A_71, %mul3A_64] : memref<16x8192xf32, #tpu.memory_space<hbm>> -> memref<16x128xf32, #tpu.memory_space<hbm>>
        %dma_start3A_73 = arith.constant 0 : i32
        %dma_start3A_74 = tpu.memref_slice %arg3[%dma_start3A_73, %mul3A_64] : memref<16x8192xf32, #tpu.memory_space<hbm>> -> memref<16x128xf32, #tpu.memory_space<hbm>>
        tpu.enqueue_dma source(%dma_start3A_74 : memref<16x128xf32, #tpu.memory_space<hbm>>) target(%arg11 : memref<16x128xf32, #tpu.memory_space<vmem>>) target_semaphore(%run_scoped3A : memref<!tpu.dma_semaphore, #tpu.memory_space<semaphore_mem>>)
        %dma_wait3A_75 = arith.constant 0 : i32
        %dma_wait3A_76 = tpu.memref_slice %arg3[%dma_wait3A_75, %mul3A_64] : memref<16x8192xf32, #tpu.memory_space<hbm>> -> memref<16x128xf32, #tpu.memory_space<hbm>>
        %dma_wait3A_77 = arith.constant 0 : i32
        %dma_wait3A_78 = tpu.memref_slice %arg3[%dma_wait3A_77, %mul3A_64] : memref<16x8192xf32, #tpu.memory_space<hbm>> -> memref<16x128xf32, #tpu.memory_space<hbm>>
        tpu.wait_dma2 semaphore(%run_scoped3A : memref<!tpu.dma_semaphore, #tpu.memory_space<semaphore_mem>>) src(%dma_wait3A_78 : memref<16x128xf32, #tpu.memory_space<hbm>>) dst(%arg11 : memref<16x128xf32, #tpu.memory_space<vmem>>)
        tpu.yield
      }) : () -> ()
      %scan3A_65 = arith.constant 0 : i32
      %scan3A_66 = arith.constant 0 : i32
      %scan3A_67 = arith.constant 8 : i32
      %scan3A_68 = arith.addi %scan3A_66, %scan3A_67 : i32
      %scan3A_69 = arith.constant 1 : i32
      scf.for %scan3A_71 = %scan3A_66 to %scan3A_68 step %scan3A_69  : i32 {
        %mul3A_72 = arith.constant 16 : i32
        %mul3A_73 = arith.muli %scan3A_71, %mul3A_72 : i32
        %get3A = arith.constant 0 : i32
        %get3A_74 = arith.index_cast %get3A : i32 to index
        %get3A_75 = arith.index_cast %mul3A_73 : i32 to index
        %get3A_76 = tpu.vector_load %arg11[%get3A_74, %get3A_75] {strides = array<i32>} : memref<16x128xf32, #tpu.memory_space<vmem>>, vector<16xf32>,
        %mul3A_77 = arith.constant 16 : i32
        %mul3A_78 = arith.muli %scan3A_71, %mul3A_77 : i32
        %get3A_79 = arith.constant 1 : i32
        %get3A_80 = arith.index_cast %get3A_79 : i32 to index
        %get3A_81 = arith.index_cast %mul3A_78 : i32 to index
        %get3A_82 = tpu.vector_load %arg11[%get3A_80, %get3A_81] {strides = array<i32>} : memref<16x128xf32, #tpu.memory_space<vmem>>, vector<16xf32>,
        %mul3A_83 = arith.constant 16 : i32
        %mul3A_84 = arith.muli %scan3A_71, %mul3A_83 : i32
        %get3A_85 = arith.constant 2 : i32
        %get3A_86 = arith.index_cast %get3A_85 : i32 to index
        %get3A_87 = arith.index_cast %mul3A_84 : i32 to index
        %get3A_88 = tpu.vector_load %arg11[%get3A_86, %get3A_87] {strides = array<i32>} : memref<16x128xf32, #tpu.memory_space<vmem>>, vector<16xf32>,
        %mul3A_89 = arith.constant 16 : i32
        %mul3A_90 = arith.muli %scan3A_71, %mul3A_89 : i32
        %get3A_91 = arith.constant 3 : i32
        %get3A_92 = arith.index_cast %get3A_91 : i32 to index
        %get3A_93 = arith.index_cast %mul3A_90 : i32 to index
        %get3A_94 = tpu.vector_load %arg11[%get3A_92, %get3A_93] {strides = array<i32>} : memref<16x128xf32, #tpu.memory_space<vmem>>, vector<16xf32>,
        %mul3A_95 = arith.constant 16 : i32
        %mul3A_96 = arith.muli %scan3A_71, %mul3A_95 : i32
        %get3A_97 = arith.constant 4 : i32
        %get3A_98 = arith.index_cast %get3A_97 : i32 to index
        %get3A_99 = arith.index_cast %mul3A_96 : i32 to index
        %get3A_100 = tpu.vector_load %arg11[%get3A_98, %get3A_99] {strides = array<i32>} : memref<16x128xf32, #tpu.memory_space<vmem>>, vector<16xf32>,
        %mul3A_101 = arith.constant 16 : i32
        %mul3A_102 = arith.muli %scan3A_71, %mul3A_101 : i32
        %get3A_103 = arith.constant 5 : i32
        %get3A_104 = arith.index_cast %get3A_103 : i32 to index
        %get3A_105 = arith.index_cast %mul3A_102 : i32 to index
        %get3A_106 = tpu.vector_load %arg11[%get3A_104, %get3A_105] {strides = array<i32>} : memref<16x128xf32, #tpu.memory_space<vmem>>, vector<16xf32>,
        %mul3A_107 = arith.constant 16 : i32
        %mul3A_108 = arith.muli %scan3A_71, %mul3A_107 : i32
        %get3A_109 = arith.constant 6 : i32
        %get3A_110 = arith.index_cast %get3A_109 : i32 to index
        %get3A_111 = arith.index_cast %mul3A_108 : i32 to index
        %get3A_112 = tpu.vector_load %arg11[%get3A_110, %get3A_111] {strides = array<i32>} : memref<16x128xf32, #tpu.memory_space<vmem>>, vector<16xf32>,
        %mul3A_113 = arith.constant 16 : i32
        %mul3A_114 = arith.muli %scan3A_71, %mul3A_113 : i32
        %get3A_115 = arith.constant 7 : i32
        %get3A_116 = arith.index_cast %get3A_115 : i32 to index
        %get3A_117 = arith.index_cast %mul3A_114 : i32 to index
        %get3A_118 = tpu.vector_load %arg11[%get3A_116, %get3A_117] {strides = array<i32>} : memref<16x128xf32, #tpu.memory_space<vmem>>, vector<16xf32>,
        %mul3A_119 = arith.constant 16 : i32
        %mul3A_120 = arith.muli %scan3A_71, %mul3A_119 : i32
        %get3A_121 = arith.constant 8 : i32
        %get3A_122 = arith.index_cast %get3A_121 : i32 to index
        %get3A_123 = arith.index_cast %mul3A_120 : i32 to index
        %get3A_124 = tpu.vector_load %arg11[%get3A_122, %get3A_123] {strides = array<i32>} : memref<16x128xf32, #tpu.memory_space<vmem>>, vector<16xf32>,
        %mul3A_125 = arith.constant 16 : i32
        %mul3A_126 = arith.muli %scan3A_71, %mul3A_125 : i32
        %get3A_127 = arith.constant 9 : i32
        %get3A_128 = arith.index_cast %get3A_127 : i32 to index
        %get3A_129 = arith.index_cast %mul3A_126 : i32 to index
        %get3A_130 = tpu.vector_load %arg11[%get3A_128, %get3A_129] {strides = array<i32>} : memref<16x128xf32, #tpu.memory_space<vmem>>, vector<16xf32>,
        %mul3A_131 = arith.constant 16 : i32
        %mul3A_132 = arith.muli %scan3A_71, %mul3A_131 : i32
        %get3A_133 = arith.constant 10 : i32
        %get3A_134 = arith.index_cast %get3A_133 : i32 to index
        %get3A_135 = arith.index_cast %mul3A_132 : i32 to index
        %get3A_136 = tpu.vector_load %arg11[%get3A_134, %get3A_135] {strides = array<i32>} : memref<16x128xf32, #tpu.memory_space<vmem>>, vector<16xf32>,
        %mul3A_137 = arith.constant 16 : i32
        %mul3A_138 = arith.muli %scan3A_71, %mul3A_137 : i32
        %get3A_139 = arith.constant 11 : i32
        %get3A_140 = arith.index_cast %get3A_139 : i32 to index
        %get3A_141 = arith.index_cast %mul3A_138 : i32 to index
        %get3A_142 = tpu.vector_load %arg11[%get3A_140, %get3A_141] {strides = array<i32>} : memref<16x128xf32, #tpu.memory_space<vmem>>, vector<16xf32>,
        %mul3A_143 = arith.constant 16 : i32
        %mul3A_144 = arith.muli %scan3A_71, %mul3A_143 : i32
        %get3A_145 = arith.constant 12 : i32
        %get3A_146 = arith.index_cast %get3A_145 : i32 to index
        %get3A_147 = arith.index_cast %mul3A_144 : i32 to index
        %get3A_148 = tpu.vector_load %arg11[%get3A_146, %get3A_147] {strides = array<i32>} : memref<16x128xf32, #tpu.memory_space<vmem>>, vector<16xf32>,
        %mul3A_149 = arith.constant 16 : i32
        %mul3A_150 = arith.muli %scan3A_71, %mul3A_149 : i32
        %get3A_151 = arith.constant 13 : i32
        %get3A_152 = arith.index_cast %get3A_151 : i32 to index
        %get3A_153 = arith.index_cast %mul3A_150 : i32 to index
        %get3A_154 = tpu.vector_load %arg11[%get3A_152, %get3A_153] {strides = array<i32>} : memref<16x128xf32, #tpu.memory_space<vmem>>, vector<16xf32>,
        %mul3A_155 = arith.constant 16 : i32
        %mul3A_156 = arith.muli %scan3A_71, %mul3A_155 : i32
        %get3A_157 = arith.constant 14 : i32
        %get3A_158 = arith.index_cast %get3A_157 : i32 to index
        %get3A_159 = arith.index_cast %mul3A_156 : i32 to index
        %get3A_160 = tpu.vector_load %arg11[%get3A_158, %get3A_159] {strides = array<i32>} : memref<16x128xf32, #tpu.memory_space<vmem>>, vector<16xf32>,
        %mul3A_161 = arith.constant 16 : i32
        %mul3A_162 = arith.muli %scan3A_71, %mul3A_161 : i32
        %get3A_163 = arith.constant 15 : i32
        %get3A_164 = arith.index_cast %get3A_163 : i32 to index
        %get3A_165 = arith.index_cast %mul3A_162 : i32 to index
        %get3A_166 = tpu.vector_load %arg11[%get3A_164, %get3A_165] {strides = array<i32>} : memref<16x128xf32, #tpu.memory_space<vmem>>, vector<16xf32>,
        %max3A = arith.maximumf %get3A_76, %get3A_82 : vector<16xf32>
        %max3A_167 = arith.maximumf %max3A, %get3A_88 : vector<16xf32>
        %max3A_168 = arith.maximumf %max3A_167, %get3A_94 : vector<16xf32>
        %max3A_169 = arith.maximumf %max3A_168, %get3A_100 : vector<16xf32>
        %max3A_170 = arith.maximumf %max3A_169, %get3A_106 : vector<16xf32>
        %max3A_171 = arith.maximumf %max3A_170, %get3A_112 : vector<16xf32>
        %max3A_172 = arith.maximumf %max3A_171, %get3A_118 : vector<16xf32>
        %max3A_173 = arith.maximumf %max3A_172, %get3A_124 : vector<16xf32>
        %max3A_174 = arith.maximumf %max3A_173, %get3A_130 : vector<16xf32>
        %max3A_175 = arith.maximumf %max3A_174, %get3A_136 : vector<16xf32>
        %max3A_176 = arith.maximumf %max3A_175, %get3A_142 : vector<16xf32>
        %max3A_177 = arith.maximumf %max3A_176, %get3A_148 : vector<16xf32>
        %max3A_178 = arith.maximumf %max3A_177, %get3A_154 : vector<16xf32>
        %max3A_179 = arith.maximumf %max3A_178, %get3A_160 : vector<16xf32>
        %max3A_180 = arith.maximumf %max3A_179, %get3A_166 : vector<16xf32>
        %sub3A = arith.subf %get3A_76, %max3A_180 : vector<16xf32>
        %exp3A = math.exp %sub3A : vector<16xf32>
        %sub3A_181 = arith.subf %get3A_82, %max3A_180 : vector<16xf32>
        %exp3A_182 = math.exp %sub3A_181 : vector<16xf32>
        %sub3A_183 = arith.subf %get3A_88, %max3A_180 : vector<16xf32>
        %exp3A_184 = math.exp %sub3A_183 : vector<16xf32>
        %sub3A_185 = arith.subf %get3A_94, %max3A_180 : vector<16xf32>
        %exp3A_186 = math.exp %sub3A_185 : vector<16xf32>
        %sub3A_187 = arith.subf %get3A_100, %max3A_180 : vector<16xf32>
        %exp3A_188 = math.exp %sub3A_187 : vector<16xf32>
        %sub3A_189 = arith.subf %get3A_106, %max3A_180 : vector<16xf32>
        %exp3A_190 = math.exp %sub3A_189 : vector<16xf32>
        %sub3A_191 = arith.subf %get3A_112, %max3A_180 : vector<16xf32>
        %exp3A_192 = math.exp %sub3A_191 : vector<16xf32>
        %sub3A_193 = arith.subf %get3A_118, %max3A_180 : vector<16xf32>
        %exp3A_194 = math.exp %sub3A_193 : vector<16xf32>
        %sub3A_195 = arith.subf %get3A_124, %max3A_180 : vector<16xf32>
        %exp3A_196 = math.exp %sub3A_195 : vector<16xf32>
        %sub3A_197 = arith.subf %get3A_130, %max3A_180 : vector<16xf32>
        %exp3A_198 = math.exp %sub3A_197 : vector<16xf32>
        %sub3A_199 = arith.subf %get3A_136, %max3A_180 : vector<16xf32>
        %exp3A_200 = math.exp %sub3A_199 : vector<16xf32>
        %sub3A_201 = arith.subf %get3A_142, %max3A_180 : vector<16xf32>
        %exp3A_202 = math.exp %sub3A_201 : vector<16xf32>
        %sub3A_203 = arith.subf %get3A_148, %max3A_180 : vector<16xf32>
        %exp3A_204 = math.exp %sub3A_203 : vector<16xf32>
        %sub3A_205 = arith.subf %get3A_154, %max3A_180 : vector<16xf32>
        %exp3A_206 = math.exp %sub3A_205 : vector<16xf32>
        %sub3A_207 = arith.subf %get3A_160, %max3A_180 : vector<16xf32>
        %exp3A_208 = math.exp %sub3A_207 : vector<16xf32>
        %sub3A_209 = arith.subf %get3A_166, %max3A_180 : vector<16xf32>
        %exp3A_210 = math.exp %sub3A_209 : vector<16xf32>
        %add3A_211 = arith.addf %exp3A, %exp3A_182 : vector<16xf32>
        %add3A_212 = arith.addf %add3A_211, %exp3A_184 : vector<16xf32>
        %add3A_213 = arith.addf %add3A_212, %exp3A_186 : vector<16xf32>
        %add3A_214 = arith.addf %add3A_213, %exp3A_188 : vector<16xf32>
        %add3A_215 = arith.addf %add3A_214, %exp3A_190 : vector<16xf32>
        %add3A_216 = arith.addf %add3A_215, %exp3A_192 : vector<16xf32>
        %add3A_217 = arith.addf %add3A_216, %exp3A_194 : vector<16xf32>
        %add3A_218 = arith.addf %add3A_217, %exp3A_196 : vector<16xf32>
        %add3A_219 = arith.addf %add3A_218, %exp3A_198 : vector<16xf32>
        %add3A_220 = arith.addf %add3A_219, %exp3A_200 : vector<16xf32>
        %add3A_221 = arith.addf %add3A_220, %exp3A_202 : vector<16xf32>
        %add3A_222 = arith.addf %add3A_221, %exp3A_204 : vector<16xf32>
        %add3A_223 = arith.addf %add3A_222, %exp3A_206 : vector<16xf32>
        %add3A_224 = arith.addf %add3A_223, %exp3A_208 : vector<16xf32>
        %add3A_225 = arith.addf %add3A_224, %exp3A_210 : vector<16xf32>
        %div3A = arith.constant 1.000000e+00 : f32
        %div3A_226 = vector.broadcast %div3A : f32 to vector<16xf32>
        %div3A_227 = arith.divf %div3A_226, %add3A_225 : vector<16xf32>
        %add3A_228 = arith.addf %exp3A_184, %exp3A_186 : vector<16xf32>
        %add3A_229 = arith.addf %exp3A_192, %exp3A_194 : vector<16xf32>
        %add3A_230 = arith.addf %add3A_228, %add3A_229 : vector<16xf32>
        %add3A_231 = arith.addf %exp3A_196, %exp3A_198 : vector<16xf32>
        %sub3A_232 = arith.subf %add3A_230, %add3A_231 : vector<16xf32>
        %add3A_233 = arith.addf %exp3A_204, %exp3A_206 : vector<16xf32>
        %sub3A_234 = arith.subf %sub3A_232, %add3A_233 : vector<16xf32>
        %add3A_235 = arith.addf %exp3A_188, %exp3A_190 : vector<16xf32>
        %add3A_236 = arith.addf %exp3A_192, %exp3A_194 : vector<16xf32>
        %add3A_237 = arith.addf %add3A_235, %add3A_236 : vector<16xf32>
        %add3A_238 = arith.addf %exp3A_196, %exp3A_198 : vector<16xf32>
        %sub3A_239 = arith.subf %add3A_237, %add3A_238 : vector<16xf32>
        %add3A_240 = arith.addf %exp3A_200, %exp3A_202 : vector<16xf32>
        %sub3A_241 = arith.subf %sub3A_239, %add3A_240 : vector<16xf32>
        %sub3A_242 = arith.subf %exp3A_182, %exp3A_184 : vector<16xf32>
        %add3A_243 = arith.addf %exp3A_188, %exp3A_194 : vector<16xf32>
        %sub3A_244 = arith.subf %sub3A_242, %add3A_243 : vector<16xf32>
        %sub3A_245 = arith.subf %exp3A_192, %exp3A_198 : vector<16xf32>
        %mul3A_246 = arith.constant 2.000000e+00 : f32
        %mul3A_247 = vector.broadcast %mul3A_246 : f32 to vector<16xf32>
        %mul3A_248 = arith.mulf %mul3A_247, %sub3A_245 : vector<16xf32>
        %sub3A_249 = arith.subf %sub3A_244, %mul3A_248 : vector<16xf32>
        %add3A_250 = arith.addf %exp3A_196, %exp3A_202 : vector<16xf32>
        %add3A_251 = arith.addf %sub3A_249, %add3A_250 : vector<16xf32>
        %sub3A_252 = arith.subf %exp3A_206, %exp3A_208 : vector<16xf32>
        %add3A_253 = arith.addf %add3A_251, %sub3A_252 : vector<16xf32>
        %add3A_254 = arith.addf %exp3A_196, %exp3A_198 : vector<16xf32>
        %add3A_255 = arith.addf %exp3A_200, %exp3A_202 : vector<16xf32>
        %add3A_256 = arith.addf %add3A_254, %add3A_255 : vector<16xf32>
        %add3A_257 = arith.addf %exp3A_204, %exp3A_206 : vector<16xf32>
        %add3A_258 = arith.addf %add3A_256, %add3A_257 : vector<16xf32>
        %add3A_259 = arith.addf %exp3A_208, %exp3A_210 : vector<16xf32>
        %add3A_260 = arith.addf %add3A_258, %add3A_259 : vector<16xf32>
        %mul3A_261 = arith.mulf %add3A_260, %div3A_227 : vector<16xf32>
        %mul3A_262 = arith.mulf %sub3A_234, %div3A_227 : vector<16xf32>
        %mul3A_263 = arith.mulf %sub3A_241, %div3A_227 : vector<16xf32>
        %mul3A_264 = arith.mulf %add3A_253, %div3A_227 : vector<16xf32>
        %mul3A_265 = arith.constant 128 : i32
        %mul3A_266 = arith.muli %add3A_62, %mul3A_265 : i32
        %mul3A_267 = arith.constant 16 : i32
        %mul3A_268 = arith.muli %scan3A_71, %mul3A_267 : i32
        %add3A_269 = arith.addi %mul3A_266, %mul3A_268 : i32
        %bitcast3A = vector.bitcast %mul3A_261 : vector<16xf32> to vector<16xi32>
        %add3A_270 = arith.constant 32768 : i32
        %add3A_271 = vector.broadcast %add3A_270 : i32 to vector<16xi32>
        %add3A_272 = arith.addi %bitcast3A, %add3A_271 : vector<16xi32>
        %shift_right_logical3A = arith.constant 16 : i32
        %shift_right_logical3A_273 = vector.broadcast %shift_right_logical3A : i32 to vector<16xi32>
        %shift_right_logical3A_274 = arith.shrui %add3A_272, %shift_right_logical3A_273 : vector<16xi32>
        %bitcast3A_275 = vector.bitcast %mul3A_262 : vector<16xf32> to vector<16xi32>
        %add3A_276 = arith.constant 32768 : i32
        %add3A_277 = vector.broadcast %add3A_276 : i32 to vector<16xi32>
        %add3A_278 = arith.addi %bitcast3A_275, %add3A_277 : vector<16xi32>
        %shift_right_logical3A_279 = arith.constant 16 : i32
        %shift_right_logical3A_280 = vector.broadcast %shift_right_logical3A_279 : i32 to vector<16xi32>
        %shift_right_logical3A_281 = arith.shrui %add3A_278, %shift_right_logical3A_280 : vector<16xi32>
        %shift_left3A = arith.constant 16 : i32
        %shift_left3A_282 = vector.broadcast %shift_left3A : i32 to vector<16xi32>
        %shift_left3A_283 = arith.shli %shift_right_logical3A_281, %shift_left3A_282 : vector<16xi32>
        %or3A = arith.ori %shift_right_logical3A_274, %shift_left3A_283 : vector<16xi32>
        %swap3A = arith.index_cast %add3A_269 : i32 to index
        %swap3A_284 = tpu.vector_load %arg9[%swap3A] {strides = array<i32>} : memref<8192xi32, #tpu.memory_space<vmem>>, vector<16xi32>,
        tpu.vector_store %arg9[%swap3A], %or3A {strides = array<i32>} : memref<8192xi32, #tpu.memory_space<vmem>>, vector<16xi32>,
        %bitcast3A_285 = vector.bitcast %mul3A_263 : vector<16xf32> to vector<16xi32>
        %add3A_286 = arith.constant 32768 : i32
        %add3A_287 = vector.broadcast %add3A_286 : i32 to vector<16xi32>
        %add3A_288 = arith.addi %bitcast3A_285, %add3A_287 : vector<16xi32>
        %shift_right_logical3A_289 = arith.constant 16 : i32
        %shift_right_logical3A_290 = vector.broadcast %shift_right_logical3A_289 : i32 to vector<16xi32>
        %shift_right_logical3A_291 = arith.shrui %add3A_288, %shift_right_logical3A_290 : vector<16xi32>
        %bitcast3A_292 = vector.bitcast %mul3A_264 : vector<16xf32> to vector<16xi32>
        %add3A_293 = arith.constant 32768 : i32
        %add3A_294 = vector.broadcast %add3A_293 : i32 to vector<16xi32>
        %add3A_295 = arith.addi %bitcast3A_292, %add3A_294 : vector<16xi32>
        %shift_right_logical3A_296 = arith.constant 16 : i32
        %shift_right_logical3A_297 = vector.broadcast %shift_right_logical3A_296 : i32 to vector<16xi32>
        %shift_right_logical3A_298 = arith.shrui %add3A_295, %shift_right_logical3A_297 : vector<16xi32>
        %shift_left3A_299 = arith.constant 16 : i32
        %shift_left3A_300 = vector.broadcast %shift_left3A_299 : i32 to vector<16xi32>
        %shift_left3A_301 = arith.shli %shift_right_logical3A_298, %shift_left3A_300 : vector<16xi32>
        %or3A_302 = arith.ori %shift_right_logical3A_291, %shift_left3A_301 : vector<16xi32>
        %swap3A_303 = arith.index_cast %add3A_269 : i32 to index
        %swap3A_304 = tpu.vector_load %arg10[%swap3A_303] {strides = array<i32>} : memref<8192xi32, #tpu.memory_space<vmem>>, vector<16xi32>,
        tpu.vector_store %arg10[%swap3A_303], %or3A_302 {strides = array<i32>} : memref<8192xi32, #tpu.memory_space<vmem>>, vector<16xi32>,
      }
      %scan3A_70 = arith.constant 8 : i32
    }
    %scan3A_27 = arith.constant 4 : i32
    "tpu.region"() ({
      %run_scoped3A = tpu.sem_alloc : memref<!tpu.dma_semaphore, #tpu.memory_space<semaphore_mem>>
      %dma_start3A_59 = tpu.memref_slice %arg9[%mul3A_16] : memref<8192xi32, #tpu.memory_space<vmem>> -> memref<512xi32, #tpu.memory_space<vmem>>
      %dma_start3A_60 = tpu.memref_slice %arg15[%mul3A_16] : memref<8192xi32, #tpu.memory_space<vmem_shared>> -> memref<512xi32, #tpu.memory_space<vmem_shared>>
      %dma_start3A_61 = tpu.memref_slice %arg15[%mul3A_16] : memref<8192xi32, #tpu.memory_space<vmem_shared>> -> memref<512xi32, #tpu.memory_space<vmem_shared>>
      %dma_start3A_62 = tpu.memref_slice %arg9[%mul3A_16] : memref<8192xi32, #tpu.memory_space<vmem>> -> memref<512xi32, #tpu.memory_space<vmem>>
      tpu.enqueue_dma source(%dma_start3A_62 : memref<512xi32, #tpu.memory_space<vmem>>) target(%dma_start3A_61 : memref<512xi32, #tpu.memory_space<vmem_shared>>) target_semaphore(%run_scoped3A : memref<!tpu.dma_semaphore, #tpu.memory_space<semaphore_mem>>)
      %dma_wait3A_63 = tpu.memref_slice %arg9[%mul3A_16] : memref<8192xi32, #tpu.memory_space<vmem>> -> memref<512xi32, #tpu.memory_space<vmem>>
      %dma_wait3A_64 = tpu.memref_slice %arg15[%mul3A_16] : memref<8192xi32, #tpu.memory_space<vmem_shared>> -> memref<512xi32, #tpu.memory_space<vmem_shared>>
      %dma_wait3A_65 = tpu.memref_slice %arg15[%mul3A_16] : memref<8192xi32, #tpu.memory_space<vmem_shared>> -> memref<512xi32, #tpu.memory_space<vmem_shared>>
      %dma_wait3A_66 = tpu.memref_slice %arg9[%mul3A_16] : memref<8192xi32, #tpu.memory_space<vmem>> -> memref<512xi32, #tpu.memory_space<vmem>>
      tpu.wait_dma2 semaphore(%run_scoped3A : memref<!tpu.dma_semaphore, #tpu.memory_space<semaphore_mem>>) src(%dma_wait3A_66 : memref<512xi32, #tpu.memory_space<vmem>>) dst(%dma_wait3A_65 : memref<512xi32, #tpu.memory_space<vmem_shared>>)
      tpu.yield
    }) : () -> ()
    "tpu.region"() ({
      %run_scoped3A = tpu.sem_alloc : memref<!tpu.dma_semaphore, #tpu.memory_space<semaphore_mem>>
      %dma_start3A_59 = tpu.memref_slice %arg10[%mul3A_16] : memref<8192xi32, #tpu.memory_space<vmem>> -> memref<512xi32, #tpu.memory_space<vmem>>
      %dma_start3A_60 = tpu.memref_slice %arg16[%mul3A_16] : memref<8192xi32, #tpu.memory_space<vmem_shared>> -> memref<512xi32, #tpu.memory_space<vmem_shared>>
      %dma_start3A_61 = tpu.memref_slice %arg16[%mul3A_16] : memref<8192xi32, #tpu.memory_space<vmem_shared>> -> memref<512xi32, #tpu.memory_space<vmem_shared>>
      %dma_start3A_62 = tpu.memref_slice %arg10[%mul3A_16] : memref<8192xi32, #tpu.memory_space<vmem>> -> memref<512xi32, #tpu.memory_space<vmem>>
      tpu.enqueue_dma source(%dma_start3A_62 : memref<512xi32, #tpu.memory_space<vmem>>) target(%dma_start3A_61 : memref<512xi32, #tpu.memory_space<vmem_shared>>) target_semaphore(%run_scoped3A : memref<!tpu.dma_semaphore, #tpu.memory_space<semaphore_mem>>)
      %dma_wait3A_63 = tpu.memref_slice %arg10[%mul3A_16] : memref<8192xi32, #tpu.memory_space<vmem>> -> memref<512xi32, #tpu.memory_space<vmem>>
      %dma_wait3A_64 = tpu.memref_slice %arg16[%mul3A_16] : memref<8192xi32, #tpu.memory_space<vmem_shared>> -> memref<512xi32, #tpu.memory_space<vmem_shared>>
      %dma_wait3A_65 = tpu.memref_slice %arg16[%mul3A_16] : memref<8192xi32, #tpu.memory_space<vmem_shared>> -> memref<512xi32, #tpu.memory_space<vmem_shared>>
      %dma_wait3A_66 = tpu.memref_slice %arg10[%mul3A_16] : memref<8192xi32, #tpu.memory_space<vmem>> -> memref<512xi32, #tpu.memory_space<vmem>>
      tpu.wait_dma2 semaphore(%run_scoped3A : memref<!tpu.dma_semaphore, #tpu.memory_space<semaphore_mem>>) src(%dma_wait3A_66 : memref<512xi32, #tpu.memory_space<vmem>>) dst(%dma_wait3A_65 : memref<512xi32, #tpu.memory_space<vmem_shared>>)
      tpu.yield
    }) : () -> ()
    %barrier3A = arith.constant 0 : index
    tpu.barrier barrier_id(%barrier3A)
    "tpu.region"() ({
      %run_scoped3A = tpu.sem_alloc : memref<!tpu.dma_semaphore, #tpu.memory_space<semaphore_mem>>
      tpu.enqueue_dma source(%arg14 : memref<8192xi32, #tpu.memory_space<vmem_shared>>) target(%arg7 : memref<8192xi32, #tpu.memory_space<vmem>>) target_semaphore(%run_scoped3A : memref<!tpu.dma_semaphore, #tpu.memory_space<semaphore_mem>>)
      tpu.wait_dma2 semaphore(%run_scoped3A : memref<!tpu.dma_semaphore, #tpu.memory_space<semaphore_mem>>) src(%arg14 : memref<8192xi32, #tpu.memory_space<vmem_shared>>) dst(%arg7 : memref<8192xi32, #tpu.memory_space<vmem>>)
      tpu.yield
    }) : () -> ()
    "tpu.region"() ({
      %run_scoped3A = tpu.sem_alloc : memref<!tpu.dma_semaphore, #tpu.memory_space<semaphore_mem>>
      tpu.enqueue_dma source(%arg15 : memref<8192xi32, #tpu.memory_space<vmem_shared>>) target(%arg9 : memref<8192xi32, #tpu.memory_space<vmem>>) target_semaphore(%run_scoped3A : memref<!tpu.dma_semaphore, #tpu.memory_space<semaphore_mem>>)
      tpu.wait_dma2 semaphore(%run_scoped3A : memref<!tpu.dma_semaphore, #tpu.memory_space<semaphore_mem>>) src(%arg15 : memref<8192xi32, #tpu.memory_space<vmem_shared>>) dst(%arg9 : memref<8192xi32, #tpu.memory_space<vmem>>)
      tpu.yield
    }) : () -> ()
    "tpu.region"() ({
      %run_scoped3A = tpu.sem_alloc : memref<!tpu.dma_semaphore, #tpu.memory_space<semaphore_mem>>
      tpu.enqueue_dma source(%arg16 : memref<8192xi32, #tpu.memory_space<vmem_shared>>) target(%arg10 : memref<8192xi32, #tpu.memory_space<vmem>>) target_semaphore(%run_scoped3A : memref<!tpu.dma_semaphore, #tpu.memory_space<semaphore_mem>>)
      tpu.wait_dma2 semaphore(%run_scoped3A : memref<!tpu.dma_semaphore, #tpu.memory_space<semaphore_mem>>) src(%arg16 : memref<8192xi32, #tpu.memory_space<vmem_shared>>) dst(%arg10 : memref<8192xi32, #tpu.memory_space<vmem>>)
      tpu.yield
    }) : () -> ()
    %scan3A_28 = arith.constant 0 : i32
    %scan3A_29 = arith.constant 0 : i32
    %scan3A_30 = arith.constant 16 : i32
    %scan3A_31 = arith.addi %scan3A_29, %scan3A_30 : i32
    %scan3A_32 = arith.constant 1 : i32
    scf.for %scan3A_59 = %scan3A_29 to %scan3A_31 step %scan3A_32  : i32 {
      %and3A = arith.constant 1 : i32
      %and3A_60 = arith.andi %scan3A_59, %and3A : i32
      %mul3A_61 = arith.constant 8 : i32
      %mul3A_62 = arith.muli %scan3A_59, %mul3A_61 : i32
      %add3A_63 = arith.addi %mul3A_2, %mul3A_62 : i32
      %dma_wait3A_64 = arith.constant 0 : i32
      %dma_wait3A_65 = arith.constant 0 : i32
      %dma_wait3A_66 = tpu.memref_slice %arg12[%and3A_60, %dma_wait3A_64, %dma_wait3A_65] : memref<2x8x4096xf32, #tpu.memory_space<vmem>> -> memref<1x8x4096xf32, #tpu.memory_space<vmem>>
      %dma_wait3A_67 = tpu.memref_squeeze %dma_wait3A_66 : memref<1x8x4096xf32, #tpu.memory_space<vmem>> -> memref<8x4096xf32, #tpu.memory_space<vmem>>
      %dma_wait3A_68 = arith.constant 0 : i32
      %dma_wait3A_69 = tpu.memref_slice %arg2[%add3A_63, %dma_wait3A_68] : memref<4096x4096xf32, #tpu.memory_space<hbm>> -> memref<8x4096xf32, #tpu.memory_space<hbm>>
      %dma_wait3A_70 = arith.constant 0 : i32
      %dma_wait3A_71 = arith.constant 0 : i32
      %dma_wait3A_72 = tpu.memref_slice %arg12[%and3A_60, %dma_wait3A_70, %dma_wait3A_71] : memref<2x8x4096xf32, #tpu.memory_space<vmem>> -> memref<1x8x4096xf32, #tpu.memory_space<vmem>>
      %dma_wait3A_73 = tpu.memref_squeeze %dma_wait3A_72 : memref<1x8x4096xf32, #tpu.memory_space<vmem>> -> memref<8x4096xf32, #tpu.memory_space<vmem>>
      %dma_wait3A_74 = arith.constant 0 : i32
      %dma_wait3A_75 = tpu.memref_slice %arg2[%add3A_63, %dma_wait3A_74] : memref<4096x4096xf32, #tpu.memory_space<hbm>> -> memref<8x4096xf32, #tpu.memory_space<hbm>>
      tpu.wait_dma2 semaphore(%arg17 : memref<!tpu.dma_semaphore, #tpu.memory_space<semaphore_mem>>) src(%dma_wait3A_75 : memref<8x4096xf32, #tpu.memory_space<hbm>>) dst(%dma_wait3A_73 : memref<8x4096xf32, #tpu.memory_space<vmem>>)
      %add3A_76 = arith.constant 1 : i32
      %add3A_77 = arith.addi %scan3A_59, %add3A_76 : i32
      %lt3A = arith.constant 16 : i32
      %lt3A_78 = arith.cmpi slt, %add3A_77, %lt3A : i32
      %convert_element_type3A = arith.extui %lt3A_78 : i1 to i32
      %cond3A = arith.constant 0 : i32
      %cond3A_79 = arith.cmpi ne, %convert_element_type3A, %cond3A : i32
      scf.if %cond3A_79 {
        %add3A_86 = arith.constant 8 : i32
        %add3A_87 = arith.addi %add3A_63, %add3A_86 : i32
        %sub3A = arith.constant 1 : i32
        %sub3A_88 = arith.subi %sub3A, %and3A_60 : i32
        %dma_start3A_89 = arith.constant 0 : i32
        %dma_start3A_90 = arith.constant 0 : i32
        %dma_start3A_91 = tpu.memref_slice %arg12[%sub3A_88, %dma_start3A_89, %dma_start3A_90] : memref<2x8x4096xf32, #tpu.memory_space<vmem>> -> memref<1x8x4096xf32, #tpu.memory_space<vmem>>
        %dma_start3A_92 = tpu.memref_squeeze %dma_start3A_91 : memref<1x8x4096xf32, #tpu.memory_space<vmem>> -> memref<8x4096xf32, #tpu.memory_space<vmem>>
        %dma_start3A_93 = arith.constant 0 : i32
        %dma_start3A_94 = tpu.memref_slice %arg2[%add3A_87, %dma_start3A_93] : memref<4096x4096xf32, #tpu.memory_space<hbm>> -> memref<8x4096xf32, #tpu.memory_space<hbm>>
        %dma_start3A_95 = arith.constant 0 : i32
        %dma_start3A_96 = arith.constant 0 : i32
        %dma_start3A_97 = tpu.memref_slice %arg12[%sub3A_88, %dma_start3A_95, %dma_start3A_96] : memref<2x8x4096xf32, #tpu.memory_space<vmem>> -> memref<1x8x4096xf32, #tpu.memory_space<vmem>>
        %dma_start3A_98 = tpu.memref_squeeze %dma_start3A_97 : memref<1x8x4096xf32, #tpu.memory_space<vmem>> -> memref<8x4096xf32, #tpu.memory_space<vmem>>
        %dma_start3A_99 = arith.constant 0 : i32
        %dma_start3A_100 = tpu.memref_slice %arg2[%add3A_87, %dma_start3A_99] : memref<4096x4096xf32, #tpu.memory_space<hbm>> -> memref<8x4096xf32, #tpu.memory_space<hbm>>
        tpu.enqueue_dma source(%dma_start3A_100 : memref<8x4096xf32, #tpu.memory_space<hbm>>) target(%dma_start3A_98 : memref<8x4096xf32, #tpu.memory_space<vmem>>) target_semaphore(%arg17 : memref<!tpu.dma_semaphore, #tpu.memory_space<semaphore_mem>>)
      } else {
      }
      %broadcast_in_dim3A = vector.broadcast %and3A_60 : i32 to vector<16xi32>
      %scan3A_80 = arith.constant 0 : i32
      %scan3A_81 = arith.constant 0 : i32
      %scan3A_82 = arith.constant 4 : i32
      %scan3A_83 = arith.addi %scan3A_81, %scan3A_82 : i32
      %scan3A_84 = arith.constant 1 : i32
      scf.for %scan3A_86 = %scan3A_81 to %scan3A_83 step %scan3A_84  : i32 {
        %and3A_87 = arith.constant 1 : i32
        %and3A_88 = arith.andi %scan3A_86, %and3A_87 : i32
        %mul3A_89 = arith.constant 4 : i32
        %mul3A_90 = arith.muli %scan3A_59, %mul3A_89 : i32
        %add3A_91 = arith.addi %mul3A_90, %scan3A_86 : i32
        %mul3A_92 = arith.constant 2048 : i32
        %mul3A_93 = arith.muli %scan3A_86, %mul3A_92 : i32
        %ge3A = arith.constant 2 : i32
        %ge3A_94 = arith.cmpi sge, %add3A_91, %ge3A : i32
        %convert_element_type3A_95 = arith.extui %ge3A_94 : i1 to i32
        %cond3A_96 = arith.constant 0 : i32
        %cond3A_97 = arith.cmpi ne, %convert_element_type3A_95, %cond3A_96 : i32
        scf.if %cond3A_97 {
          %dma_wait3A_110 = arith.constant 0 : i32
          %dma_wait3A_111 = arith.constant 0 : i32
          %dma_wait3A_112 = tpu.memref_slice %arg13[%and3A_88, %dma_wait3A_110, %dma_wait3A_111] : memref<2x8x2048xf32, #tpu.memory_space<vmem>> -> memref<1x8x2048xf32, #tpu.memory_space<vmem>>
          %dma_wait3A_113 = tpu.memref_squeeze %dma_wait3A_112 : memref<1x8x2048xf32, #tpu.memory_space<vmem>> -> memref<8x2048xf32, #tpu.memory_space<vmem>>
          %dma_wait3A_114 = tpu.memref_slice %arg6[%add3A_63, %mul3A_93] : memref<4096x8192xf32, #tpu.memory_space<hbm>> -> memref<8x2048xf32, #tpu.memory_space<hbm>>
          %dma_wait3A_115 = tpu.memref_slice %arg6[%add3A_63, %mul3A_93] : memref<4096x8192xf32, #tpu.memory_space<hbm>> -> memref<8x2048xf32, #tpu.memory_space<hbm>>
          %dma_wait3A_116 = arith.constant 0 : i32
          %dma_wait3A_117 = arith.constant 0 : i32
          %dma_wait3A_118 = tpu.memref_slice %arg13[%and3A_88, %dma_wait3A_116, %dma_wait3A_117] : memref<2x8x2048xf32, #tpu.memory_space<vmem>> -> memref<1x8x2048xf32, #tpu.memory_space<vmem>>
          %dma_wait3A_119 = tpu.memref_squeeze %dma_wait3A_118 : memref<1x8x2048xf32, #tpu.memory_space<vmem>> -> memref<8x2048xf32, #tpu.memory_space<vmem>>
          tpu.wait_dma2 semaphore(%arg18 : memref<!tpu.dma_semaphore, #tpu.memory_space<semaphore_mem>>) src(%dma_wait3A_119 : memref<8x2048xf32, #tpu.memory_space<vmem>>) dst(%dma_wait3A_115 : memref<8x2048xf32, #tpu.memory_space<hbm>>)
        } else {
        }
        %parallel_loop3A = arith.constant 0 : i32
        %parallel_loop3A_98 = arith.constant 128 : i32
        %parallel_loop3A_99 = arith.constant 1 : i32
        scf.for %parallel_loop3A_110 = %parallel_loop3A to %parallel_loop3A_98 step %parallel_loop3A_99  : i32 {
          %parallel_loop3A_111 = arith.constant 16 : i32
          %parallel_loop3A_112 = arith.muli %parallel_loop3A_110, %parallel_loop3A_111 : i32
          %parallel_loop3A_113 = arith.addi %mul3A_93, %parallel_loop3A_112 : i32
          %parallel_loop3A_114 = arith.index_cast %parallel_loop3A_113 : i32 to index
          %parallel_loop3A_115 = tpu.vector_load %arg7[%parallel_loop3A_114] {strides = array<i32>} : memref<8192xi32, #tpu.memory_space<vmem>>, vector<16xi32>,
          %parallel_loop3A_116 = arith.constant 65535 : i32
          %parallel_loop3A_117 = vector.broadcast %parallel_loop3A_116 : i32 to vector<16xi32>
          %parallel_loop3A_118 = arith.andi %parallel_loop3A_115, %parallel_loop3A_117 : vector<16xi32>
          %parallel_loop3A_119 = arith.constant 16 : i32
          %parallel_loop3A_120 = vector.broadcast %parallel_loop3A_119 : i32 to vector<16xi32>
          %parallel_loop3A_121 = arith.shrui %parallel_loop3A_115, %parallel_loop3A_120 : vector<16xi32>
          %parallel_loop3A_122 = arith.index_cast %parallel_loop3A_113 : i32 to index
          %parallel_loop3A_123 = tpu.vector_load %arg9[%parallel_loop3A_122] {strides = array<i32>} : memref<8192xi32, #tpu.memory_space<vmem>>, vector<16xi32>,
          %parallel_loop3A_124 = arith.constant 16 : i32
          %parallel_loop3A_125 = vector.broadcast %parallel_loop3A_124 : i32 to vector<16xi32>
          %parallel_loop3A_126 = arith.shli %parallel_loop3A_123, %parallel_loop3A_125 : vector<16xi32>
          %parallel_loop3A_127 = vector.bitcast %parallel_loop3A_126 : vector<16xi32> to vector<16xf32>
          %parallel_loop3A_128 = arith.constant -65536 : i32
          %parallel_loop3A_129 = vector.broadcast %parallel_loop3A_128 : i32 to vector<16xi32>
          %parallel_loop3A_130 = arith.andi %parallel_loop3A_123, %parallel_loop3A_129 : vector<16xi32>
          %parallel_loop3A_131 = vector.bitcast %parallel_loop3A_130 : vector<16xi32> to vector<16xf32>
          %parallel_loop3A_132 = arith.index_cast %parallel_loop3A_113 : i32 to index
          %parallel_loop3A_133 = tpu.vector_load %arg10[%parallel_loop3A_132] {strides = array<i32>} : memref<8192xi32, #tpu.memory_space<vmem>>, vector<16xi32>,
          %parallel_loop3A_134 = arith.constant 16 : i32
          %parallel_loop3A_135 = vector.broadcast %parallel_loop3A_134 : i32 to vector<16xi32>
          %parallel_loop3A_136 = arith.shli %parallel_loop3A_133, %parallel_loop3A_135 : vector<16xi32>
          %parallel_loop3A_137 = vector.bitcast %parallel_loop3A_136 : vector<16xi32> to vector<16xf32>
          %parallel_loop3A_138 = arith.constant -65536 : i32
          %parallel_loop3A_139 = vector.broadcast %parallel_loop3A_138 : i32 to vector<16xi32>
          %parallel_loop3A_140 = arith.andi %parallel_loop3A_133, %parallel_loop3A_139 : vector<16xi32>
          %parallel_loop3A_141 = vector.bitcast %parallel_loop3A_140 : vector<16xi32> to vector<16xf32>
          %parallel_loop3A_142 = arith.constant 0 : i32
          %parallel_loop3A_143 = vector.broadcast %parallel_loop3A_142 : i32 to vector<16xi32>
          %parallel_loop3A_144 = tpu.vector_load_idx %arg12[%broadcast_in_dim3A, %parallel_loop3A_143, %parallel_loop3A_118] : memref<2x8x4096xf32, #tpu.memory_space<vmem>>[vector<16xi32>, vector<16xi32>, vector<16xi32>], vector<16xf32>,
          %parallel_loop3A_145 = tpu.vector_load_idx %arg12[%broadcast_in_dim3A, %parallel_loop3A_143, %parallel_loop3A_121] : memref<2x8x4096xf32, #tpu.memory_space<vmem>>[vector<16xi32>, vector<16xi32>, vector<16xi32>], vector<16xf32>,
          %parallel_loop3A_146 = arith.mulf %parallel_loop3A_131, %parallel_loop3A_144 : vector<16xf32>
          %parallel_loop3A_147 = arith.addf %parallel_loop3A_127, %parallel_loop3A_146 : vector<16xf32>
          %parallel_loop3A_148 = arith.mulf %parallel_loop3A_141, %parallel_loop3A_144 : vector<16xf32>
          %parallel_loop3A_149 = arith.addf %parallel_loop3A_137, %parallel_loop3A_148 : vector<16xf32>
          %parallel_loop3A_150 = arith.mulf %parallel_loop3A_149, %parallel_loop3A_145 : vector<16xf32>
          %parallel_loop3A_151 = arith.addf %parallel_loop3A_147, %parallel_loop3A_150 : vector<16xf32>
          %parallel_loop3A_152 = arith.constant 16 : i32
          %parallel_loop3A_153 = arith.muli %parallel_loop3A_110, %parallel_loop3A_152 : i32
          %parallel_loop3A_154 = arith.constant 0 : i32
          %parallel_loop3A_155 = arith.index_cast %and3A_88 : i32 to index
          %parallel_loop3A_156 = arith.index_cast %parallel_loop3A_154 : i32 to index
          %parallel_loop3A_157 = arith.index_cast %parallel_loop3A_153 : i32 to index
          %parallel_loop3A_158 = tpu.vector_load %arg13[%parallel_loop3A_155, %parallel_loop3A_156, %parallel_loop3A_157] {strides = array<i32>} : memref<2x8x2048xf32, #tpu.memory_space<vmem>>, vector<16xf32>,
          tpu.vector_store %arg13[%parallel_loop3A_155, %parallel_loop3A_156, %parallel_loop3A_157], %parallel_loop3A_151 {strides = array<i32>} : memref<2x8x2048xf32, #tpu.memory_space<vmem>>, vector<16xf32>,
          %parallel_loop3A_159 = arith.constant 1 : i32
          %parallel_loop3A_160 = vector.broadcast %parallel_loop3A_159 : i32 to vector<16xi32>
          %parallel_loop3A_161 = tpu.vector_load_idx %arg12[%broadcast_in_dim3A, %parallel_loop3A_160, %parallel_loop3A_118] : memref<2x8x4096xf32, #tpu.memory_space<vmem>>[vector<16xi32>, vector<16xi32>, vector<16xi32>], vector<16xf32>,
          %parallel_loop3A_162 = tpu.vector_load_idx %arg12[%broadcast_in_dim3A, %parallel_loop3A_160, %parallel_loop3A_121] : memref<2x8x4096xf32, #tpu.memory_space<vmem>>[vector<16xi32>, vector<16xi32>, vector<16xi32>], vector<16xf32>,
          %parallel_loop3A_163 = arith.mulf %parallel_loop3A_131, %parallel_loop3A_161 : vector<16xf32>
          %parallel_loop3A_164 = arith.addf %parallel_loop3A_127, %parallel_loop3A_163 : vector<16xf32>
          %parallel_loop3A_165 = arith.mulf %parallel_loop3A_141, %parallel_loop3A_161 : vector<16xf32>
          %parallel_loop3A_166 = arith.addf %parallel_loop3A_137, %parallel_loop3A_165 : vector<16xf32>
          %parallel_loop3A_167 = arith.mulf %parallel_loop3A_166, %parallel_loop3A_162 : vector<16xf32>
          %parallel_loop3A_168 = arith.addf %parallel_loop3A_164, %parallel_loop3A_167 : vector<16xf32>
          %parallel_loop3A_169 = arith.constant 16 : i32
          %parallel_loop3A_170 = arith.muli %parallel_loop3A_110, %parallel_loop3A_169 : i32
          %parallel_loop3A_171 = arith.constant 1 : i32
          %parallel_loop3A_172 = arith.index_cast %and3A_88 : i32 to index
          %parallel_loop3A_173 = arith.index_cast %parallel_loop3A_171 : i32 to index
          %parallel_loop3A_174 = arith.index_cast %parallel_loop3A_170 : i32 to index
          %parallel_loop3A_175 = tpu.vector_load %arg13[%parallel_loop3A_172, %parallel_loop3A_173, %parallel_loop3A_174] {strides = array<i32>} : memref<2x8x2048xf32, #tpu.memory_space<vmem>>, vector<16xf32>,
          tpu.vector_store %arg13[%parallel_loop3A_172, %parallel_loop3A_173, %parallel_loop3A_174], %parallel_loop3A_168 {strides = array<i32>} : memref<2x8x2048xf32, #tpu.memory_space<vmem>>, vector<16xf32>,
          %parallel_loop3A_176 = arith.constant 2 : i32
          %parallel_loop3A_177 = vector.broadcast %parallel_loop3A_176 : i32 to vector<16xi32>
          %parallel_loop3A_178 = tpu.vector_load_idx %arg12[%broadcast_in_dim3A, %parallel_loop3A_177, %parallel_loop3A_118] : memref<2x8x4096xf32, #tpu.memory_space<vmem>>[vector<16xi32>, vector<16xi32>, vector<16xi32>], vector<16xf32>,
          %parallel_loop3A_179 = tpu.vector_load_idx %arg12[%broadcast_in_dim3A, %parallel_loop3A_177, %parallel_loop3A_121] : memref<2x8x4096xf32, #tpu.memory_space<vmem>>[vector<16xi32>, vector<16xi32>, vector<16xi32>], vector<16xf32>,
          %parallel_loop3A_180 = arith.mulf %parallel_loop3A_131, %parallel_loop3A_178 : vector<16xf32>
          %parallel_loop3A_181 = arith.addf %parallel_loop3A_127, %parallel_loop3A_180 : vector<16xf32>
          %parallel_loop3A_182 = arith.mulf %parallel_loop3A_141, %parallel_loop3A_178 : vector<16xf32>
          %parallel_loop3A_183 = arith.addf %parallel_loop3A_137, %parallel_loop3A_182 : vector<16xf32>
          %parallel_loop3A_184 = arith.mulf %parallel_loop3A_183, %parallel_loop3A_179 : vector<16xf32>
          %parallel_loop3A_185 = arith.addf %parallel_loop3A_181, %parallel_loop3A_184 : vector<16xf32>
          %parallel_loop3A_186 = arith.constant 16 : i32
          %parallel_loop3A_187 = arith.muli %parallel_loop3A_110, %parallel_loop3A_186 : i32
          %parallel_loop3A_188 = arith.constant 2 : i32
          %parallel_loop3A_189 = arith.index_cast %and3A_88 : i32 to index
          %parallel_loop3A_190 = arith.index_cast %parallel_loop3A_188 : i32 to index
          %parallel_loop3A_191 = arith.index_cast %parallel_loop3A_187 : i32 to index
          %parallel_loop3A_192 = tpu.vector_load %arg13[%parallel_loop3A_189, %parallel_loop3A_190, %parallel_loop3A_191] {strides = array<i32>} : memref<2x8x2048xf32, #tpu.memory_space<vmem>>, vector<16xf32>,
          tpu.vector_store %arg13[%parallel_loop3A_189, %parallel_loop3A_190, %parallel_loop3A_191], %parallel_loop3A_185 {strides = array<i32>} : memref<2x8x2048xf32, #tpu.memory_space<vmem>>, vector<16xf32>,
          %parallel_loop3A_193 = arith.constant 3 : i32
          %parallel_loop3A_194 = vector.broadcast %parallel_loop3A_193 : i32 to vector<16xi32>
          %parallel_loop3A_195 = tpu.vector_load_idx %arg12[%broadcast_in_dim3A, %parallel_loop3A_194, %parallel_loop3A_118] : memref<2x8x4096xf32, #tpu.memory_space<vmem>>[vector<16xi32>, vector<16xi32>, vector<16xi32>], vector<16xf32>,
          %parallel_loop3A_196 = tpu.vector_load_idx %arg12[%broadcast_in_dim3A, %parallel_loop3A_194, %parallel_loop3A_121] : memref<2x8x4096xf32, #tpu.memory_space<vmem>>[vector<16xi32>, vector<16xi32>, vector<16xi32>], vector<16xf32>,
          %parallel_loop3A_197 = arith.mulf %parallel_loop3A_131, %parallel_loop3A_195 : vector<16xf32>
          %parallel_loop3A_198 = arith.addf %parallel_loop3A_127, %parallel_loop3A_197 : vector<16xf32>
          %parallel_loop3A_199 = arith.mulf %parallel_loop3A_141, %parallel_loop3A_195 : vector<16xf32>
          %parallel_loop3A_200 = arith.addf %parallel_loop3A_137, %parallel_loop3A_199 : vector<16xf32>
          %parallel_loop3A_201 = arith.mulf %parallel_loop3A_200, %parallel_loop3A_196 : vector<16xf32>
          %parallel_loop3A_202 = arith.addf %parallel_loop3A_198, %parallel_loop3A_201 : vector<16xf32>
          %parallel_loop3A_203 = arith.constant 16 : i32
          %parallel_loop3A_204 = arith.muli %parallel_loop3A_110, %parallel_loop3A_203 : i32
          %parallel_loop3A_205 = arith.constant 3 : i32
          %parallel_loop3A_206 = arith.index_cast %and3A_88 : i32 to index
          %parallel_loop3A_207 = arith.index_cast %parallel_loop3A_205 : i32 to index
          %parallel_loop3A_208 = arith.index_cast %parallel_loop3A_204 : i32 to index
          %parallel_loop3A_209 = tpu.vector_load %arg13[%parallel_loop3A_206, %parallel_loop3A_207, %parallel_loop3A_208] {strides = array<i32>} : memref<2x8x2048xf32, #tpu.memory_space<vmem>>, vector<16xf32>,
          tpu.vector_store %arg13[%parallel_loop3A_206, %parallel_loop3A_207, %parallel_loop3A_208], %parallel_loop3A_202 {strides = array<i32>} : memref<2x8x2048xf32, #tpu.memory_space<vmem>>, vector<16xf32>,
          %parallel_loop3A_210 = arith.constant 4 : i32
          %parallel_loop3A_211 = vector.broadcast %parallel_loop3A_210 : i32 to vector<16xi32>
          %parallel_loop3A_212 = tpu.vector_load_idx %arg12[%broadcast_in_dim3A, %parallel_loop3A_211, %parallel_loop3A_118] : memref<2x8x4096xf32, #tpu.memory_space<vmem>>[vector<16xi32>, vector<16xi32>, vector<16xi32>], vector<16xf32>,
          %parallel_loop3A_213 = tpu.vector_load_idx %arg12[%broadcast_in_dim3A, %parallel_loop3A_211, %parallel_loop3A_121] : memref<2x8x4096xf32, #tpu.memory_space<vmem>>[vector<16xi32>, vector<16xi32>, vector<16xi32>], vector<16xf32>,
          %parallel_loop3A_214 = arith.mulf %parallel_loop3A_131, %parallel_loop3A_212 : vector<16xf32>
          %parallel_loop3A_215 = arith.addf %parallel_loop3A_127, %parallel_loop3A_214 : vector<16xf32>
          %parallel_loop3A_216 = arith.mulf %parallel_loop3A_141, %parallel_loop3A_212 : vector<16xf32>
          %parallel_loop3A_217 = arith.addf %parallel_loop3A_137, %parallel_loop3A_216 : vector<16xf32>
          %parallel_loop3A_218 = arith.mulf %parallel_loop3A_217, %parallel_loop3A_213 : vector<16xf32>
          %parallel_loop3A_219 = arith.addf %parallel_loop3A_215, %parallel_loop3A_218 : vector<16xf32>
          %parallel_loop3A_220 = arith.constant 16 : i32
          %parallel_loop3A_221 = arith.muli %parallel_loop3A_110, %parallel_loop3A_220 : i32
          %parallel_loop3A_222 = arith.constant 4 : i32
          %parallel_loop3A_223 = arith.index_cast %and3A_88 : i32 to index
          %parallel_loop3A_224 = arith.index_cast %parallel_loop3A_222 : i32 to index
          %parallel_loop3A_225 = arith.index_cast %parallel_loop3A_221 : i32 to index
          %parallel_loop3A_226 = tpu.vector_load %arg13[%parallel_loop3A_223, %parallel_loop3A_224, %parallel_loop3A_225] {strides = array<i32>} : memref<2x8x2048xf32, #tpu.memory_space<vmem>>, vector<16xf32>,
          tpu.vector_store %arg13[%parallel_loop3A_223, %parallel_loop3A_224, %parallel_loop3A_225], %parallel_loop3A_219 {strides = array<i32>} : memref<2x8x2048xf32, #tpu.memory_space<vmem>>, vector<16xf32>,
          %parallel_loop3A_227 = arith.constant 5 : i32
          %parallel_loop3A_228 = vector.broadcast %parallel_loop3A_227 : i32 to vector<16xi32>
          %parallel_loop3A_229 = tpu.vector_load_idx %arg12[%broadcast_in_dim3A, %parallel_loop3A_228, %parallel_loop3A_118] : memref<2x8x4096xf32, #tpu.memory_space<vmem>>[vector<16xi32>, vector<16xi32>, vector<16xi32>], vector<16xf32>,
          %parallel_loop3A_230 = tpu.vector_load_idx %arg12[%broadcast_in_dim3A, %parallel_loop3A_228, %parallel_loop3A_121] : memref<2x8x4096xf32, #tpu.memory_space<vmem>>[vector<16xi32>, vector<16xi32>, vector<16xi32>], vector<16xf32>,
          %parallel_loop3A_231 = arith.mulf %parallel_loop3A_131, %parallel_loop3A_229 : vector<16xf32>
          %parallel_loop3A_232 = arith.addf %parallel_loop3A_127, %parallel_loop3A_231 : vector<16xf32>
          %parallel_loop3A_233 = arith.mulf %parallel_loop3A_141, %parallel_loop3A_229 : vector<16xf32>
          %parallel_loop3A_234 = arith.addf %parallel_loop3A_137, %parallel_loop3A_233 : vector<16xf32>
          %parallel_loop3A_235 = arith.mulf %parallel_loop3A_234, %parallel_loop3A_230 : vector<16xf32>
          %parallel_loop3A_236 = arith.addf %parallel_loop3A_232, %parallel_loop3A_235 : vector<16xf32>
          %parallel_loop3A_237 = arith.constant 16 : i32
          %parallel_loop3A_238 = arith.muli %parallel_loop3A_110, %parallel_loop3A_237 : i32
          %parallel_loop3A_239 = arith.constant 5 : i32
          %parallel_loop3A_240 = arith.index_cast %and3A_88 : i32 to index
          %parallel_loop3A_241 = arith.index_cast %parallel_loop3A_239 : i32 to index
          %parallel_loop3A_242 = arith.index_cast %parallel_loop3A_238 : i32 to index
          %parallel_loop3A_243 = tpu.vector_load %arg13[%parallel_loop3A_240, %parallel_loop3A_241, %parallel_loop3A_242] {strides = array<i32>} : memref<2x8x2048xf32, #tpu.memory_space<vmem>>, vector<16xf32>,
          tpu.vector_store %arg13[%parallel_loop3A_240, %parallel_loop3A_241, %parallel_loop3A_242], %parallel_loop3A_236 {strides = array<i32>} : memref<2x8x2048xf32, #tpu.memory_space<vmem>>, vector<16xf32>,
          %parallel_loop3A_244 = arith.constant 6 : i32
          %parallel_loop3A_245 = vector.broadcast %parallel_loop3A_244 : i32 to vector<16xi32>
          %parallel_loop3A_246 = tpu.vector_load_idx %arg12[%broadcast_in_dim3A, %parallel_loop3A_245, %parallel_loop3A_118] : memref<2x8x4096xf32, #tpu.memory_space<vmem>>[vector<16xi32>, vector<16xi32>, vector<16xi32>], vector<16xf32>,
          %parallel_loop3A_247 = tpu.vector_load_idx %arg12[%broadcast_in_dim3A, %parallel_loop3A_245, %parallel_loop3A_121] : memref<2x8x4096xf32, #tpu.memory_space<vmem>>[vector<16xi32>, vector<16xi32>, vector<16xi32>], vector<16xf32>,
          %parallel_loop3A_248 = arith.mulf %parallel_loop3A_131, %parallel_loop3A_246 : vector<16xf32>
          %parallel_loop3A_249 = arith.addf %parallel_loop3A_127, %parallel_loop3A_248 : vector<16xf32>
          %parallel_loop3A_250 = arith.mulf %parallel_loop3A_141, %parallel_loop3A_246 : vector<16xf32>
          %parallel_loop3A_251 = arith.addf %parallel_loop3A_137, %parallel_loop3A_250 : vector<16xf32>
          %parallel_loop3A_252 = arith.mulf %parallel_loop3A_251, %parallel_loop3A_247 : vector<16xf32>
          %parallel_loop3A_253 = arith.addf %parallel_loop3A_249, %parallel_loop3A_252 : vector<16xf32>
          %parallel_loop3A_254 = arith.constant 16 : i32
          %parallel_loop3A_255 = arith.muli %parallel_loop3A_110, %parallel_loop3A_254 : i32
          %parallel_loop3A_256 = arith.constant 6 : i32
          %parallel_loop3A_257 = arith.index_cast %and3A_88 : i32 to index
          %parallel_loop3A_258 = arith.index_cast %parallel_loop3A_256 : i32 to index
          %parallel_loop3A_259 = arith.index_cast %parallel_loop3A_255 : i32 to index
          %parallel_loop3A_260 = tpu.vector_load %arg13[%parallel_loop3A_257, %parallel_loop3A_258, %parallel_loop3A_259] {strides = array<i32>} : memref<2x8x2048xf32, #tpu.memory_space<vmem>>, vector<16xf32>,
          tpu.vector_store %arg13[%parallel_loop3A_257, %parallel_loop3A_258, %parallel_loop3A_259], %parallel_loop3A_253 {strides = array<i32>} : memref<2x8x2048xf32, #tpu.memory_space<vmem>>, vector<16xf32>,
          %parallel_loop3A_261 = arith.constant 7 : i32
          %parallel_loop3A_262 = vector.broadcast %parallel_loop3A_261 : i32 to vector<16xi32>
          %parallel_loop3A_263 = tpu.vector_load_idx %arg12[%broadcast_in_dim3A, %parallel_loop3A_262, %parallel_loop3A_118] : memref<2x8x4096xf32, #tpu.memory_space<vmem>>[vector<16xi32>, vector<16xi32>, vector<16xi32>], vector<16xf32>,
          %parallel_loop3A_264 = tpu.vector_load_idx %arg12[%broadcast_in_dim3A, %parallel_loop3A_262, %parallel_loop3A_121] : memref<2x8x4096xf32, #tpu.memory_space<vmem>>[vector<16xi32>, vector<16xi32>, vector<16xi32>], vector<16xf32>,
          %parallel_loop3A_265 = arith.mulf %parallel_loop3A_131, %parallel_loop3A_263 : vector<16xf32>
          %parallel_loop3A_266 = arith.addf %parallel_loop3A_127, %parallel_loop3A_265 : vector<16xf32>
          %parallel_loop3A_267 = arith.mulf %parallel_loop3A_141, %parallel_loop3A_263 : vector<16xf32>
          %parallel_loop3A_268 = arith.addf %parallel_loop3A_137, %parallel_loop3A_267 : vector<16xf32>
          %parallel_loop3A_269 = arith.mulf %parallel_loop3A_268, %parallel_loop3A_264 : vector<16xf32>
          %parallel_loop3A_270 = arith.addf %parallel_loop3A_266, %parallel_loop3A_269 : vector<16xf32>
          %parallel_loop3A_271 = arith.constant 16 : i32
          %parallel_loop3A_272 = arith.muli %parallel_loop3A_110, %parallel_loop3A_271 : i32
          %parallel_loop3A_273 = arith.constant 7 : i32
          %parallel_loop3A_274 = arith.index_cast %and3A_88 : i32 to index
          %parallel_loop3A_275 = arith.index_cast %parallel_loop3A_273 : i32 to index
          %parallel_loop3A_276 = arith.index_cast %parallel_loop3A_272 : i32 to index
          %parallel_loop3A_277 = tpu.vector_load %arg13[%parallel_loop3A_274, %parallel_loop3A_275, %parallel_loop3A_276] {strides = array<i32>} : memref<2x8x2048xf32, #tpu.memory_space<vmem>>, vector<16xf32>,
          tpu.vector_store %arg13[%parallel_loop3A_274, %parallel_loop3A_275, %parallel_loop3A_276], %parallel_loop3A_270 {strides = array<i32>} : memref<2x8x2048xf32, #tpu.memory_space<vmem>>, vector<16xf32>,
        } {sc.loop_unroll_factor = 2 : i64, sc.parallel_access}
        %dma_start3A_100 = arith.constant 0 : i32
        %dma_start3A_101 = arith.constant 0 : i32
        %dma_start3A_102 = tpu.memref_slice %arg13[%and3A_88, %dma_start3A_100, %dma_start3A_101] : memref<2x8x2048xf32, #tpu.memory_space<vmem>> -> memref<1x8x2048xf32, #tpu.memory_space<vmem>>
        %dma_start3A_103 = tpu.memref_squeeze %dma_start3A_102 : memref<1x8x2048xf32, #tpu.memory_space<vmem>> -> memref<8x2048xf32, #tpu.memory_space<vmem>>
        %dma_start3A_104 = tpu.memref_slice %arg6[%add3A_63, %mul3A_93] : memref<4096x8192xf32, #tpu.memory_space<hbm>> -> memref<8x2048xf32, #tpu.memory_space<hbm>>
        %dma_start3A_105 = tpu.memref_slice %arg6[%add3A_63, %mul3A_93] : memref<4096x8192xf32, #tpu.memory_space<hbm>> -> memref<8x2048xf32, #tpu.memory_space<hbm>>
        %dma_start3A_106 = arith.constant 0 : i32
        %dma_start3A_107 = arith.constant 0 : i32
        %dma_start3A_108 = tpu.memref_slice %arg13[%and3A_88, %dma_start3A_106, %dma_start3A_107] : memref<2x8x2048xf32, #tpu.memory_space<vmem>> -> memref<1x8x2048xf32, #tpu.memory_space<vmem>>
        %dma_start3A_109 = tpu.memref_squeeze %dma_start3A_108 : memref<1x8x2048xf32, #tpu.memory_space<vmem>> -> memref<8x2048xf32, #tpu.memory_space<vmem>>
        tpu.enqueue_dma source(%dma_start3A_109 : memref<8x2048xf32, #tpu.memory_space<vmem>>) target(%dma_start3A_105 : memref<8x2048xf32, #tpu.memory_space<hbm>>) target_semaphore(%arg18 : memref<!tpu.dma_semaphore, #tpu.memory_space<semaphore_mem>>)
      }
      %scan3A_85 = arith.constant 4 : i32
    }
    %scan3A_33 = arith.constant 16 : i32
    %dma_wait3A = arith.constant 0 : i32
    %dma_wait3A_34 = arith.constant 0 : i32
    %dma_wait3A_35 = arith.constant 0 : i32
    %dma_wait3A_36 = tpu.memref_slice %arg13[%dma_wait3A, %dma_wait3A_34, %dma_wait3A_35] : memref<2x8x2048xf32, #tpu.memory_space<vmem>> -> memref<1x8x2048xf32, #tpu.memory_space<vmem>>
    %dma_wait3A_37 = tpu.memref_squeeze %dma_wait3A_36 : memref<1x8x2048xf32, #tpu.memory_space<vmem>> -> memref<8x2048xf32, #tpu.memory_space<vmem>>
    %dma_wait3A_38 = arith.constant 0 : i32
    %dma_wait3A_39 = tpu.memref_slice %arg6[%mul3A_2, %dma_wait3A_38] : memref<4096x8192xf32, #tpu.memory_space<hbm>> -> memref<8x2048xf32, #tpu.memory_space<hbm>>
    %dma_wait3A_40 = arith.constant 0 : i32
    %dma_wait3A_41 = tpu.memref_slice %arg6[%mul3A_2, %dma_wait3A_40] : memref<4096x8192xf32, #tpu.memory_space<hbm>> -> memref<8x2048xf32, #tpu.memory_space<hbm>>
    %dma_wait3A_42 = arith.constant 0 : i32
    %dma_wait3A_43 = arith.constant 0 : i32
    %dma_wait3A_44 = tpu.memref_slice %arg13[%dma_wait3A, %dma_wait3A_42, %dma_wait3A_43] : memref<2x8x2048xf32, #tpu.memory_space<vmem>> -> memref<1x8x2048xf32, #tpu.memory_space<vmem>>
    %dma_wait3A_45 = tpu.memref_squeeze %dma_wait3A_44 : memref<1x8x2048xf32, #tpu.memory_space<vmem>> -> memref<8x2048xf32, #tpu.memory_space<vmem>>
    tpu.wait_dma2 semaphore(%arg18 : memref<!tpu.dma_semaphore, #tpu.memory_space<semaphore_mem>>) src(%dma_wait3A_45 : memref<8x2048xf32, #tpu.memory_space<vmem>>) dst(%dma_wait3A_41 : memref<8x2048xf32, #tpu.memory_space<hbm>>)
    %dma_wait3A_46 = arith.constant 0 : i32
    %dma_wait3A_47 = arith.constant 0 : i32
    %dma_wait3A_48 = arith.constant 0 : i32
    %dma_wait3A_49 = tpu.memref_slice %arg13[%dma_wait3A_46, %dma_wait3A_47, %dma_wait3A_48] : memref<2x8x2048xf32, #tpu.memory_space<vmem>> -> memref<1x8x2048xf32, #tpu.memory_space<vmem>>
    %dma_wait3A_50 = tpu.memref_squeeze %dma_wait3A_49 : memref<1x8x2048xf32, #tpu.memory_space<vmem>> -> memref<8x2048xf32, #tpu.memory_space<vmem>>
    %dma_wait3A_51 = arith.constant 0 : i32
    %dma_wait3A_52 = tpu.memref_slice %arg6[%mul3A_2, %dma_wait3A_51] : memref<4096x8192xf32, #tpu.memory_space<hbm>> -> memref<8x2048xf32, #tpu.memory_space<hbm>>
    %dma_wait3A_53 = arith.constant 0 : i32
    %dma_wait3A_54 = tpu.memref_slice %arg6[%mul3A_2, %dma_wait3A_53] : memref<4096x8192xf32, #tpu.memory_space<hbm>> -> memref<8x2048xf32, #tpu.memory_space<hbm>>
    %dma_wait3A_55 = arith.constant 0 : i32
    %dma_wait3A_56 = arith.constant 0 : i32
    %dma_wait3A_57 = tpu.memref_slice %arg13[%dma_wait3A_46, %dma_wait3A_55, %dma_wait3A_56] : memref<2x8x2048xf32, #tpu.memory_space<vmem>> -> memref<1x8x2048xf32, #tpu.memory_space<vmem>>
    %dma_wait3A_58 = tpu.memref_squeeze %dma_wait3A_57 : memref<1x8x2048xf32, #tpu.memory_space<vmem>> -> memref<8x2048xf32, #tpu.memory_space<vmem>>
    tpu.wait_dma2 semaphore(%arg18 : memref<!tpu.dma_semaphore, #tpu.memory_space<semaphore_mem>>) src(%dma_wait3A_58 : memref<8x2048xf32, #tpu.memory_space<vmem>>) dst(%dma_wait3A_54 : memref<8x2048xf32, #tpu.memory_space<hbm>>)
    return
  }
}

</mosaic_0001>

<sc_bundles>
// kernel: _logic_layer_sc.3.cloned.1.call-start
scs
__scs_entry_jumppad:
0x0: {  	(pc) =	sbr.rel $0x88, $3  }
0x1: {  	(tag) =	ssettag $0x0;
	lr =	simm.s32 $0x1  }
0x2: {  	[smem:$0x3F9D] =	sst lr;
	_ =	strace $0xD0000000  }
0x3: {  	_ = 	snop  }
0x4: {  	_ = 	snop  }
0x5: {  	_ = 	snop  }
0x6: {  	_ = 	snop  }
0x7: {  	_ = 	snop  }
__scs_overlays_trampoline_lowered:
0x8: {  	[smem:$0x3FAC] =	sst s0  }
0x9: {  	[smem:$0x3FAD] =	sst s1  }
0xa: {  	[smem:$0x3FAE] =	sst s2  }
0xb: {  	[smem:$0x3FAF] =	sst s3  }
0xc: {  	[smem:$0x3FB0] =	sst s4  }
0xd: {  	[smem:$0x3FB1] =	sst s5  }
0xe: {  	[smem:$0x3FB2] =	sst s6  }
0xf: {  	[smem:$0x3FB3] =	sst s7  }
0x10: {  	[smem:$0x3FB4] =	sst s8  }
0x11: {  	[smem:$0x3FB5] =	sst s9;
	s0 =	simm.s32 @!p0 $0x0  }
0x12: {  	s1 =	sld [smem:$0x3F9B];
	s0 =	simm.s32 @p0 $0x1  }
0x13: {  	[smem:$0x3FB6] =	sst s0;
	s0 =	simm.s32 @!p1 $0x0  }
0x14: {  	s2 =	sld [smem:$0x3F9A];
	s0 =	simm.s32 @p1 $0x1  }
0x15: {  	[smem:$0x3FB7] =	sst s0;
	s0 =	simm.s32 @!p2 $0x0  }
0x16: {  	s3 =	sld [smem:$0x3FDB];
	s0 =	simm.s32 @p2 $0x1  }
0x17: {  	s4 =	simm.s32 $0x1BF5;
	[smem:$0x3FB9] =	sst s0  }
0x18: {  	s0 =	sld [smem:$0x3F9C];
	_ =	swait.ge [sflag:s4], $0x0  }
0x19: {  	s7 =	sld [smem:$0x3F9D]  }
0x1a: {  	s8 =	sadd.s32 $0xFFFFE003, lr  }
0x1b: {  	s9 =	sadd.s32 $0xFFFFFEF7, lr;
	s5 =	simm.s32 $0xFFFFFFFF;
	p2 =	slt.u32 s8, $0xFFFFF086  }
0x1c: {  	p1 =	slt.u32 s9, $0xF7A;
	s5 =	simm.s32 @!p2 $0x0  }
0x1d: {  	s5 =	simm.s32 @p1 $0x1;
	p0 =	seq.s32 s7, s2  }
0x1e: {  	s7 =	smul.u32 @!p0 $0xF7A, s2;
	p2 =	seq.s32 @!p0 s5, $0x0  }
0x1f: {  	s9 =	smul.u32 $0xF7A, s1;
	s8 =	simm.s32 @!p0 $0x1BF5;
	p2 =	por !p2, p0  }
0x20: {  	[sflag:s8] =	ssyncset.s32 @!p0 $0xFFFFF086;
	s6 =	sadd.s32 @!p0 s3, s7;
	s7 =	simm.s32 @!p0 $0x108  }
0x21: {  	s3 =	sadd.s32 s3, s9;
	s6 =	sadd.s32 @!p0 $0x88, s6;
	s7 =	simm.s32 @p2 $0x1082  }
0x22: {  	[simem:s7], [sflag:s8] =	dma.local @!p0 [hbm:s6], $0xF7A  }
0x23: {  	s9 =	sor.u32 $0xD0000000, s2;
	s6 =	simm.s32 $0x108;
	_ =	swait.ge @!p0 [sflag:s8], $0x0  }
0x24: {  	s3 =	sadd.s32 $0x88, s3;
	s6 =	simm.s32 @!p1 $0x1082;
	[sflag:s4] =	ssyncset.s32 $0xFFFFF086  }
0x25: {  	[simem:s6], [sflag:s4] =	dma.local [hbm:s3], $0xF7A  }
0x26: {  	[smem:$0x3F9D] =	sst s1;
	(tag) =	ssettag s2;
	_ =	strace s9  }
0x27: {  	s1 =	sld [smem:$0x3FAD]  }
0x28: {  	s2 =	sld [smem:$0x3FAE]  }
0x29: {  	s4 =	sld [smem:$0x3FB0]  }
0x2a: {  	p0 =	seq.s32 s5, $0x0;
	s5 =	sld [smem:$0x3FB1]  }
0x2b: {  	s6 =	sld [smem:$0x3FB2]  }
0x2c: {  	s7 =	sld [smem:$0x3FB3]  }
0x2d: {  	s3 =	simm.s32 $0x108;
	s8 =	sld [smem:$0x3FB4]  }
0x2e: {  	s3 =	simm.s32 @!p0 $0x1082;
	s9 =	sld [smem:$0x3FB5]  }
0x2f: {  	lr =	sadd.s32 s0, s3;
	s0 =	sld [smem:$0x3FAC]  }
0x30: {  	s3 =	sld [smem:$0x3FAF]  }
0x31: {  	[smem:$0x3FB8] =	sst s10  }
0x32: {  	s10 =	sld [smem:$0x3FB6];
	_ =	sdelay $0x3  }
0x33: {  	p0 =	seq.s32 s10, $0x1;
	s10 =	sld [smem:$0x3FB8];
	_ =	sdelay $0x3  }
0x34: {  	[smem:$0x3FB8] =	sst s10  }
0x35: {  	s10 =	sld [smem:$0x3FB7];
	_ =	sdelay $0x3  }
0x36: {  	p1 =	seq.s32 s10, $0x1;
	s10 =	sld [smem:$0x3FB8];
	_ =	sdelay $0x3  }
0x37: {  	[smem:$0x3FB8] =	sst s10  }
0x38: {  	s10 =	sld [smem:$0x3FB9]  }
0x39: {  	_ = 	snop;
	(pc) =	sbr.ind lr, $3  }
0x3a: {  	_ = 	snop  }
0x3b: {  	_ = 	snop  }
0x3c: {  	p2 =	seq.s32 s10, $0x1;
	s10 =	sld [smem:$0x3FB8]  }
0x3d: {  	_ =	shalt  }
0x3e: {  	_ =	shalt  }
0x3f: {  	_ =	shalt  }
0x40: {  	_ =	shalt  }
0x41: {  	_ =	shalt  }
0x42: {  	_ =	shalt  }
0x43: {  	_ =	shalt  }
0x44: {  	_ =	shalt  }
0x45: {  	_ =	shalt  }
0x46: {  	_ =	shalt  }
0x47: {  	_ =	shalt  }
0x48: {  	_ =	shalt  }
0x49: {  	_ =	shalt  }
0x4a: {  	_ =	shalt  }
0x4b: {  	_ =	shalt  }
0x4c: {  	_ =	shalt  }
0x4d: {  	_ =	shalt  }
0x4e: {  	_ =	shalt  }
0x4f: {  	_ =	shalt  }
0x50: {  	_ =	shalt  }
0x51: {  	_ =	shalt  }
0x52: {  	_ =	shalt  }
0x53: {  	_ =	shalt  }
0x54: {  	_ =	shalt  }
0x55: {  	_ =	shalt  }
0x56: {  	_ =	shalt  }
0x57: {  	_ =	shalt  }
0x58: {  	_ =	shalt  }
0x59: {  	_ =	shalt  }
0x5a: {  	_ =	shalt  }
0x5b: {  	_ =	shalt  }
0x5c: {  	_ =	shalt  }
0x5d: {  	_ =	shalt  }
0x5e: {  	_ =	shalt  }
0x5f: {  	_ =	shalt  }
0x60: {  	_ =	shalt  }
0x61: {  	_ =	shalt  }
0x62: {  	_ =	shalt  }
0x63: {  	_ =	shalt  }
0x64: {  	_ =	shalt  }
0x65: {  	_ =	shalt  }
0x66: {  	_ =	shalt  }
0x67: {  	_ =	shalt  }
0x68: {  	_ =	shalt  }
0x69: {  	_ =	shalt  }
0x6a: {  	_ =	shalt  }
0x6b: {  	_ =	shalt  }
0x6c: {  	_ =	shalt  }
0x6d: {  	_ =	shalt  }
0x6e: {  	_ =	shalt  }
0x6f: {  	_ =	shalt  }
0x70: {  	_ =	shalt  }
0x71: {  	_ =	shalt  }
0x72: {  	_ =	shalt  }
0x73: {  	_ =	shalt  }
0x74: {  	_ =	shalt  }
0x75: {  	_ =	shalt  }
0x76: {  	_ =	shalt  }
0x77: {  	_ =	shalt  }
0x78: {  	_ =	shalt  }
0x79: {  	_ =	shalt  }
0x7a: {  	_ =	shalt  }
0x7b: {  	_ =	shalt  }
0x7c: {  	_ =	shalt  }
0x7d: {  	_ =	shalt  }
0x7e: {  	_ =	shalt  }
0x7f: {  	_ =	shalt  }
0x80: {  	_ =	shalt  }
0x81: {  	_ =	shalt  }
0x82: {  	_ =	shalt  }
0x83: {  	_ =	shalt  }
0x84: {  	_ =	shalt  }
0x85: {  	_ =	shalt  }
0x86: {  	_ =	shalt  }
0x87: {  	_ =	shalt  }
.Lfunc_end0:
.L_simem_size_0:
called_computation_lowered:
.L_overlay_start_0:
0x88: {  	s2 =	sld [smem:$0x3FD9]  }
0x89: {  	s3 =	sld [smem:$0x3FFE];
	_ =	sdelay $0x1  }
0x8a: {  	s1 =	srdreg.scid  }
0x8b: {  	s0 =	sand.u32 $0x1, s1  }
0x8c: {  	s18 =	sshll.u32 s0, $0xA;
	s2 =	sadd.s32 s3, s2  }
0x8d: {  	s2 =	sadd.s32 s2, s18  }
0x8e: {  	[smem:$0x3FC4] =	sst s2  }
0x8f: {  	_ = 	snop  }
0x90: {  	s2 =	sld [smem:$0x3FC9]  }
0x91: {  	s19 =	sld [smem:$0x3FC8]  }
0x92: {  	s4 =	sld [smem:$0x3FC7]  }
0x93: {  	s5 =	sld [smem:$0x3FC6]  }
0x94: {  	s6 =	sld [smem:$0x3FD0];
	(tm) =	ssettm $0x1  }
0x95: {  	s7 =	sld [smem:$0x3FFB];
	_ =	sdelay $0x3  }
0x96: {  	_ =	strace s7  }
0x97: {  	s7 =	sld [smem:$0x3FFC];
	_ =	sdelay $0x3  }
0x98: {  	_ =	strace s7  }
0x99: {  	s7 =	sld [smem:$0x3FFD];
	_ =	sdelay $0x3  }
0x9a: {  	_ =	strace s7  }
0x9b: {  	_ =	strace $0x8FFFFFFF  }
0x9c: {  	s20 =	sld [smem:$0x3FDB];
	_ =	sdelay $0x1  }
0x9d: {  	s8 =	simm.s32 $_scs_section_size  }
0x9e: {  	s9 =	simm.s32 $_size__tile_overlayer_lowered;
	s10 =	simm.s32 $_tile_overlayer_lowered  }
0x9f: {  	s23 =	simm.s32 $0x1BFF;
	s22 =	sshll.u32 s10, $0x1;
	s7 =	sadd.s32 s8, s20  }
0xa0: {  	s11 =	simm.s32 $0x0;
	s21 =	sshll.u32 s9, $0x1;
	s9 =	sadd.s32 s22, s7  }
0xa1: {  	[timem:s11], [sflag:s23] =	dma.local [hbm:s9], s21  }
0xa2: {  	_ =	swait.ge [sflag:s23], s21  }
0xa3: {  	s8 =	ssub.s32 $0x0, s21;
	[sflag:s23] =	ssyncset.done $0x0  }
0xa4: {  	[sflag:s23] =	ssyncadd.s32 s8;
	_ =	sdelay $0x1  }
0xa5: {  	s24 =	simm.s32 $0x1B8B  }
0xa6: {  	_ =	swait.ge [sflag:s24], $0x1  }
0xa7: {  	[sflag:s24] =	ssyncset.done $0x0  }
0xa8: {  	s25 =	simm.s32 $0x1B8E;
	[sflag:s24] =	ssyncadd.s32 $0xFFFFFFFF  }
0xa9: {  	s26 =	simm.s32 $execute0_lowered;
	[smem:$0x3FD2] =	sst s25  }
0xaa: {  	s8 =	sshll.u32 s26, $0x1;
	_ =	strace $0x80000046;
	[dreg:$0x1] =	wrdreg $0xFFFFFFFF  }
0xab: {  	s28 =	simm.s32 $_size_execute0_lowered;
	s7 =	sadd.s32 s7, s8;
	[dreg:$0x0] =	wrdreg $0x0  }
0xac: {  	s8 =	sshll.u32 s28, $0x1;
	[dreg:$0x2] =	wrdreg s7  }
0xad: {  	[dreg:$0x3] =	wrdreg s8  }
0xae: {  	[dreg:$0x4] =	wrdreg $0xC0  }
0xaf: {  	_ =	task [dreg:s11], $0x5FFFF  }
0xb0: {  	[dreg:$0x1] =	wrdreg $0xFFFFFFFF  }
0xb1: {  	[dreg:$0x0] =	wrdreg $0x60  }
0xb2: {  	[dreg:$0x2] =	wrdreg s2  }
0xb3: {  	[dreg:$0x3] =	wrdreg s19  }
0xb4: {  	[dreg:$0x4] =	wrdreg s4  }
0xb5: {  	[dreg:$0x5] =	wrdreg s5  }
0xb6: {  	[dreg:$0x6] =	wrdreg s6  }
0xb7: {  	[dreg:$0x7] =	wrdreg $0x1EA000  }
0xb8: {  	[dreg:$0x8] =	wrdreg $0x1EC000  }
0xb9: {  	[dreg:$0x9] =	wrdreg $0x1EE000  }
0xba: {  	[dreg:$0xa] =	wrdreg $0x9  }
0xbb: {  	_ =	task.clear_ibuf [dreg:s11], $0xBFFFF;
	_ =	strace $0x90000046  }
0xbc: {  	s29 =	simm.s32 $0x9;
	_ =	strace $0x80000048  }
0xbd: {  	_ =	swait.ge [sflag:s29], $0x1  }
0xbe: {  	[sflag:s29] =	ssyncadd.s32 $0xFFFFFFFF  }
0xbf: {  	_ =	strace $0x90000048  }
0xc0: {  	_ =	sfence  }
0xc1: {  	s30 =	sld [smem:$0x0];
	_ =	sdelay $0x2  }
0xc2: {  	s31 =	sshll.u32 s1, $0xD;
	s1 =	sshrl.u32 s1, $0x2  }
0xc3: {  	s3 =	sand.u32 $0x4000, s31;
	s1 =	sadd.s32 s1, s30  }
0xc4: {  	s0 =	sor.u32 s3, s0;
	s1 =	sshll.u32 s1, $0x11  }
0xc5: {  	s0 =	sor.u32 s1, s0  }
0xc6: {  	s0 =	sadd.s32 $0x8F2B, s0  }
0xc7: {  	[sflag:s0] =	ssyncadd.remote.s32 $0x1  }
0xc8: {  	_ =	sfence.sel $0xFFFF  }
0xc9: {  	[dreg:$0x0] =	wrdreg $0xFFFFFFFF;
	(pc) =	sbr.abs _section_cstart, $3  }
0xca: {  	[dreg:$0x1] =	wrdreg $0xFFFFFFFF  }
0xcb: {  	_ =	task.clear_ibuf [dreg:s11], $0x2FFFF;
	_ =	strace $0x9FFFFFFF  }
0xcc: {  	(tm) =	ssettm $0x7FFFFFFF  }
0xcd: {  	_ =	shalt  }
tec
execute0_lowered:
.L_overlay_start_1:
0x0: {  	(tag) =	ssettag $0x1  }
0x1: {  	s0 =	rddreg [dreg:$0x0]  }
0x2: {  	s9 =	rddreg [dreg:$0x1]  }
0x3: {  	s1 =	rddreg [dreg:$0x2]  }
0x4: {  	s2 =	rddreg [dreg:$0x3]  }
0x5: {  	s11 =	rddreg [dreg:$0x5]  }
0x6: {  	s12 =	rddreg [dreg:$0x6]  }
0x7: {  	s13 =	rddreg [dreg:$0x7];
	s7 =	simm.s32 $0x0;
	s3 =	srdreg.scid  }
0x8: {  	s10 =	stileid.u32;
	s20 =	simm.s32 $0x6A00;
	s21 =	simm.s32 $0x3  }
0x9: {  	s28 =	simm.s32 $0x1;
	[smem:$0x7FF] =	sst s7;
	s24 =	sshll.u32 s10, $0x6  }
0xa: {  	s5 =	sshll.u32 s10, $0x8;
	s10 =	sshll.u32 s10, $0x9;
	s1 =	sadd.s32 s1, s24  }
0xb: {  	_ =	strace $0x80000047;
	s25 =	sadd.s32 s2, s24;
	[dreg:$0xa] =	wrdreg s1  }
0xc: {  	s3 =	sand.u32 $0x1, s3;
	s26 =	sadd.s32 s10, s11;
	[dreg:$0xb] =	wrdreg s25  }
0xd: {  	s18 =	sadd.s32 $0x1000, s0;
	s29 =	sadd.s32 s10, s12;
	[dreg:$0xc] =	wrdreg s26  }
0xe: {  	s4 =	ssub.s32 $0x2, s3;
	s30 =	sadd.s32 s10, s13;
	[dreg:$0xd] =	wrdreg s29  }
0xf: {  	s3 =	sshll.u32 s3, $0x7;
	s11 =	sadd.s32 $0x4200, s10;
	[dreg:$0xf] =	wrdreg s30  }
0x10: {  	s6 =	sshrl.u32 s4, $0x1;
	s8 =	sor.u32 s3, s5;
	[dreg:$0x10] =	wrdreg s11  }
0x11: {  	s22 =	ssub.s32 s4, s6;
	s23 =	sshll.u32 s8, $0x9;
	s6 =	sadd.s32 $0x2200, s10  }
0x12: {  	s12 =	simm.s32 $0x400;
	s4 =	sadd.s32 s0, s23;
	[dreg:$0xe] =	wrdreg s6  }
0x13: {  	s13 =	simm.s32 $0x10000;
	s31 =	smax.u32 s22, $0x1;
	[dreg:$0x9] =	wrdreg s4  }
0x14: {  	s24 =	simm.s32 $0x6200;
	s2 =	simm.s32 $0x0;
	[dreg:$0x11] =	wrdreg s31  }
.LBB2_1:
0x15: {  	[dreg:$0x12] =	wrdreg s2  }
0x16: {  	s0 =	rddreg [dreg:$0x9]  }
0x17: {  	[tilespmem:s20], [sflag:$0x1] =	stream.linear.gather [hbm4b:s0+s7], $0x8000, $0x38;
	[tilespmem:$0x1F000] =	vst v63  }
0x18: {  	s26 =	rddreg [dreg:$0xa]  }
0x19: {  	[tilespmem:s10], [sflag:$0x3] =	stream.linear.gather [hbm4b:s26+s7], $0x200, $0x38;
	[tilespmem:$0x1F000] =	vst v63  }
0x1a: {  	_ =	swait.ge [sflag:s21], $0x200  }
0x1b: {  	[sflag:s21] =	ssyncset.done $0x0  }
0x1c: {  	s1 =	simm.s32 $0x2000;
	s29 =	rddreg [dreg:$0xb];
	[sflag:s21] =	ssyncadd.s32 $0xFFFFFE00  }
0x1d: {  	[tilespmem:s1], [sflag:$0x3] =	stream.linear.gather [hbm4b:s29+s7], $0x200, $0x38;
	[tilespmem:$0x1F000] =	vst v63  }
0x1e: {  	_ =	swait.ge [sflag:s21], $0x200  }
0x1f: {  	s30 =	sand.u32 $0x180, s7;
	[sflag:s21] =	ssyncset.done $0x0  }
0x20: {  	s31 =	sand.u32 $0x70, s7;
	s0 =	sadd.s32 s30, s10;
	[sflag:s21] =	ssyncadd.s32 $0xFFFFFE00  }
0x21: {  	s0 =	sadd.s32 s31, s0;
	v0 =	vld [tilespmem:s1+$0x0]  }
0x22: {  	v1 =	vld [tilespmem:s0+$0x0];
	_ =	sdelay $0x3  }
0x23: {  	s3 =	simm.s32 $0x10;
	v0 =	vshll.u32 v0, $0x10  }
0x24: {  	s2 =	simm.s32 $0x20;
	s4 =	sand.u32 $0x180, s3;
	s1 =	simm.s32 $0x2010;
	v0 =	vor.u32 v1, v0  }
.LBB2_2:
0x25: {  	p0 =	sne.s32 s2, $0x1F0;
	s3 =	sand.u32 $0x70, s3;
	s4 =	sadd.s32 s4, s10;
	[tilespmem:s0+$0x0] =	vst v0  }
0x26: {  	s0 =	sadd.s32 s3, s4;
	v0 =	vld [tilespmem:s1+$0x0];
	s3 =	smov.u32 s2  }
0x27: {  	v1 =	vld [tilespmem:s0+$0x0]  }
.Ltmp0:
0x28: {  	(pc) =	sbr.rel @p0 .LBB2_2-.Ltmp0, $3  }
0x29: {  	_ =	sdelay $0x1  }
0x2a: {  	v0 =	vshll.u32 v0, $0x10  }
0x2b: {  	s2 =	sadd.s32 $0x10, s2;
	s1 =	sadd.s32 $0x10, s1;
	s4 =	sand.u32 $0x180, s3;
	v0 =	vor.u32 v1, v0  }
0x2c: {  	s2 =	sand.u32 $0x70, s3;
	s29 =	sadd.s32 s4, s10;
	[tilespmem:s0+$0x0] =	vst v0  }
0x2d: {  	s30 =	sadd.s32 s2, s29;
	v0 =	vld [tilespmem:s1+$0x0]  }
0x2e: {  	v1 =	vld [tilespmem:s30+$0x0];
	_ =	sdelay $0x3  }
0x2f: {  	v0 =	vshll.u32 v0, $0x10  }
0x30: {  	v0 =	vor.u32 v1, v0  }
0x31: {  	s31 =	rddreg [dreg:$0xc];
	[tilespmem:s30+$0x0] =	vst v0  }
0x32: {  	[spmem:s31] =	stream.linear.scatter [tilespmem:s10], [sflag:$0x3], $0x200, $0x38;
	[tilespmem:$0x1F000] =	vst v63  }
0x33: {  	_ =	swait.ge [sflag:s21], $0x200  }
0x34: {  	s3 =	smov.u32 s11;
	[sflag:s21] =	ssyncset.done $0x0  }
0x35: {  	s4 =	smov.u32 s6;
	s1 =	simm.s32 $0x0;
	[sflag:s21] =	ssyncadd.s32 $0xFFFFFE00  }
.LBB2_4:
0x36: {  	s0 =	sshll.u32 s1, $0x7  }
0x37: {  	s0 =	sadd.s32 s10, s0  }
0x38: {  	s0 =	sadd.s32 s9, s0  }
0x39: {  	[tilespmem:s24], [sflag:$0x3] =	stream.strided.gather [hbm4b:s0+s12], $0x800, s13, s12, $0x38;
	[tilespmem:$0x1F000] =	vst v63  }
0x3a: {  	_ =	swait.ge [sflag:s21], $0x800  }
0x3b: {  	[sflag:s21] =	ssyncset.done $0x0  }
0x3c: {  	s5 =	simm.s32 $0x0;
	[sflag:s21] =	ssyncadd.s32 $0xFFFFF800  }
0x3d: {  	v2 =	vld [tilespmem:s5+$0x6280]  }
0x3e: {  	v5 =	vld [tilespmem:s5+$0x6200]  }
0x3f: {  	v3 =	vld [tilespmem:s5+$0x6300]  }
0x40: {  	v1 =	vmov s4;
	v0 =	vmov s3;
	s0 =	simm.s32 $0x40;
	v4 =	vld [tilespmem:s5+$0x6380]  }
.LBB2_5:
0x41: {  	p0 =	sne.s32 s0, $0x1C0;
	v6 =	vld [tilespmem:s5+$0x6400];
	s2 =	smov.u32 s0;
	s0 =	sadd.s32 $0x40, s0  }
0x42: {  	v7 =	vld [tilespmem:s5+$0x6480]  }
0x43: {  	v8 =	vld [tilespmem:s5+$0x6500];
	v9 =	vmax.f32 v5, v2  }
0x44: {  	s2 =	sshra.s32 s2, $0x2;
	v10 =	vld [tilespmem:s5+$0x6580];
	v9 =	vmax.f32 v9, v3  }
0x45: {  	v11 =	vld [tilespmem:s5+$0x6600];
	v9 =	vmax.f32 v9, v4  }
0x46: {  	v12 =	vld [tilespmem:s5+$0x6680];
	v9 =	vmax.f32 v9, v6  }
0x47: {  	v13 =	vld [tilespmem:s5+$0x6700];
	v9 =	vmax.f32 v9, v7  }
0x48: {  	v14 =	vld [tilespmem:s5+$0x6780];
	v9 =	vmax.f32 v9, v8  }
0x49: {  	v15 =	vld [tilespmem:s5+$0x6800];
	v9 =	vmax.f32 v9, v10  }
0x4a: {  	v16 =	vld [tilespmem:s5+$0x6880];
	v9 =	vmax.f32 v9, v11  }
0x4b: {  	v17 =	vld [tilespmem:s5+$0x6900];
	v9 =	vmax.f32 v9, v12  }
0x4c: {  	v18 =	vld [tilespmem:s5+$0x6980];
	v9 =	vmax.f32 v9, v13  }
0x4d: {  	v9 =	vmax.f32 v9, v14  }
0x4e: {  	v9 =	vmax.f32 v9, v15  }
0x4f: {  	v9 =	vmax.f32 v9, v16  }
0x50: {  	v9 =	vmax.f32 v9, v17  }
0x51: {  	v9 =	vmax.f32 v9, v18  }
0x52: {  	v5 =	vsub.f32 v5, v9;
	v2 =	vsub.f32 v2, v9  }
0x53: {  	v3 =	vsub.f32 v3, v9;
	v4 =	vsub.f32 v4, v9  }
0x54: {  	v6 =	vsub.f32 v6, v9;
	v5 =	vmul.f32 $1.442695020e+00, v5;
	v2 =	vmul.f32 $1.442695020e+00, v2  }
0x55: {  	v7 =	vsub.f32 v7, v9;
	v3 =	vmul.f32 $1.442695020e+00, v3;
	v4 =	vmul.f32 $1.442695020e+00, v4  }
0x56: {  	v8 =	vsub.f32 v8, v9;
	v6 =	vmul.f32 $1.442695020e+00, v6;
	(erf) = vpow2.f32 v5  }
0x57: {  	v5 =	vmul.f32 $1.442695020e+00, v7;
	v7 =	vsub.f32 v10, v9;
	(erf) = vpow2.f32 v2  }
0x58: {  	v10 =	vsub.f32 v12, v9;
	v2 =	vmul.f32 $1.442695020e+00, v8;
	v8 =	vsub.f32 v11, v9  }
0x59: {  	v11 =	vsub.f32 v13, v9;
	v7 =	vmul.f32 $1.442695020e+00, v7;
	(erf) = vpow2.f32 v3  }
0x5a: {  	v3 =	vmul.f32 $1.442695020e+00, v8;
	v8 =	vmul.f32 $1.442695020e+00, v10;
	v10 =	vsub.f32 v14, v9  }
0x5b: {  	v12 =	vsub.f32 v15, v9;
	v13 =	vsub.f32 v16, v9;
	(erf) = vpow2.f32 v4  }
0x5c: {  	v4 =	vmul.f32 $1.442695020e+00, v10;
	v10 =	vsub.f32 v17, v9;
	v9 =	vsub.f32 v18, v9  }
0x5d: {  	v13 =	vmul.f32 $1.442695020e+00, v13;
	(erf) = vpow2.f32 v6  }
0x5e: {  	v6 =	vmul.f32 $1.442695020e+00, v12;
	v10 =	vmul.f32 $1.442695020e+00, v10  }
0x5f: {  	v9 =	vmul.f32 $1.442695020e+00, v9;
	v12 =	vpop (erf);
	(erf) = vpow2.f32 v5  }
0x60: {  	v5 =	vpop (erf)  }
0x61: {  	v12 =	vadd.f32 v5, v12;
	(erf) = vpow2.f32 v2  }
0x62: {  	v2 =	vpop (erf)  }
0x63: {  	v12 =	vadd.f32 v12, v2;
	v5 =	vsub.f32 v5, v2;
	(erf) = vpow2.f32 v7  }
0x64: {  	v7 =	vpop (erf)  }
0x65: {  	v12 =	vadd.f32 v12, v7;
	v2 =	vadd.f32 v7, v2;
	(erf) = vpow2.f32 v3  }
0x66: {  	v3 =	vmul.f32 $1.442695020e+00, v11;
	v7 =	vpop (erf);
	(erf) = vpow2.f32 v4  }
0x67: {  	v4 =	vadd.f32 v12, v7;
	(erf) = vpow2.f32 v8  }
0x68: {  	v8 =	vpop (erf);
	(erf) = vpow2.f32 v3  }
0x69: {  	v3 =	vadd.f32 v4, v8;
	v4 =	vadd.f32 v8, v7;
	(erf) = vpow2.f32 v6  }
0x6a: {  	v6 =	vpop (erf);
	(erf) = vpow2.f32 v13  }
0x6b: {  	v3 =	vadd.f32 v3, v6  }
0x6c: {  	v8 =	vpop (erf)  }
0x6d: {  	v3 =	vadd.f32 v3, v8;
	v13 =	vadd.f32 v8, v7  }
0x6e: {  	v8 =	vadd.f32 v8, v6;
	v11 =	vpop (erf)  }
0x6f: {  	v3 =	vadd.f32 v3, v11;
	v5 =	vsub.f32 v5, v13;
	v7 =	vpop (erf);
	(erf) = vpow2.f32 v10  }
0x70: {  	v2 =	vadd.f32 v8, v2;
	v10 =	vadd.f32 v7, v11;
	v12 =	vpop (erf)  }
0x71: {  	v3 =	vadd.f32 v3, v12;
	v6 =	vsub.f32 v6, v12;
	v13 =	vpop (erf);
	(erf) = vpow2.f32 v9  }
0x72: {  	v9 =	vadd.f32 v12, v11;
	v11 =	vadd.f32 v7, v13;
	v12 =	vpop (erf)  }
0x73: {  	v3 =	vadd.f32 v3, v13;
	v6 =	vadd.f32 v6, v6;
	v13 =	vpop (erf)  }
0x74: {  	v14 =	vadd.f32 v13, v12;
	v15 =	vadd.f32 v11, v9  }
0x75: {  	v3 =	vadd.f32 v3, v7;
	v5 =	vsub.f32 v5, v6  }
0x76: {  	v2 =	vsub.f32 v2, v9;
	v6 =	vadd.f32 v15, v14  }
0x77: {  	v3 =	vadd.f32 v3, v12;
	v5 =	vadd.f32 v5, v10  }
0x78: {  	v7 =	vpop (erf)  }
0x79: {  	v3 =	vadd.f32 v3, v13  }
0x7a: {  	v10 =	vpop (erf)  }
0x7b: {  	v3 =	vadd.f32 v3, v7;
	_ =	sdelay $0x1  }
0x7c: {  	v3 =	vadd.f32 v3, v10;
	_ =	sdelay $0x1  }
0x7d: {  	(erf) = vrcp.f32 v3;
	_ =	sdelay $0x3  }
0x7e: {  	v3 =	vadd.f32 v10, v7  }
0x7f: {  	v4 =	vadd.f32 v8, v4;
	v7 =	vsub.f32 v13, v7  }
0x80: {  	v3 =	vadd.f32 v6, v3  }
0x81: {  	v4 =	vsub.f32 v4, v9;
	v5 =	vadd.f32 v5, v7  }
0x82: {  	v2 =	vsub.f32 v2, v14  }
0x83: {  	v4 =	vsub.f32 v4, v11;
	v6 =	vpop (erf)  }
0x84: {  	v3 =	vmul.f32 v6, v3;
	v5 =	vmul.f32 v6, v5  }
0x85: {  	v2 =	vmul.f32 v6, v2;
	v4 =	vmul.f32 v6, v4  }
0x86: {  	v3 =	vadd.s32 $0x8000, v3;
	v5 =	vadd.s32 $0x8000, v5  }
0x87: {  	v2 =	vadd.s32 $0x8000, v2;
	v4 =	vadd.s32 $0x8000, v4;
	v3 =	vshrl.u32 v3, $0x10  }
0x88: {  	v2 =	vand.u32 $0xFFFF0000, v2;
	v4 =	vshrl.u32 v4, $0x10;
	v5 =	vand.u32 $0xFFFF0000, v5  }
0x89: {  	v2 =	vor.u32 v2, v3;
	v3 =	vor.u32 v5, v4  }
0x8a: {  	[tilespmem:v1+s5+$0x0 ss:$0x1] =	vst.idx.msk $0xffff, v2  }
.Ltmp1:
0x8b: {  	[tilespmem:v0+s5+$0x0 ss:$0x1] =	vst.idx.msk $0xffff, v3;
	s5 =	smov.u32 s2;
	(pc) =	sbr.rel @p0 .LBB2_5-.Ltmp1, $4  }
0x8c: {  	v2 =	vld [tilespmem:s5+$0x6280]  }
0x8d: {  	v5 =	vld [tilespmem:s5+$0x6200]  }
0x8e: {  	v3 =	vld [tilespmem:s5+$0x6300]  }
0x8f: {  	v4 =	vld [tilespmem:s5+$0x6380]  }
0x90: {  	v6 =	vld [tilespmem:s5+$0x6400]  }
0x91: {  	v7 =	vld [tilespmem:s5+$0x6480]  }
0x92: {  	v8 =	vld [tilespmem:s5+$0x6500];
	v9 =	vmax.f32 v5, v2  }
0x93: {  	v10 =	vld [tilespmem:s5+$0x6580];
	v9 =	vmax.f32 v9, v3  }
0x94: {  	v11 =	vld [tilespmem:s5+$0x6600];
	v9 =	vmax.f32 v9, v4  }
0x95: {  	v12 =	vld [tilespmem:s5+$0x6680];
	v9 =	vmax.f32 v9, v6  }
0x96: {  	v13 =	vld [tilespmem:s5+$0x6700];
	v9 =	vmax.f32 v9, v7  }
0x97: {  	v14 =	vld [tilespmem:s5+$0x6780];
	v9 =	vmax.f32 v9, v8  }
0x98: {  	v15 =	vld [tilespmem:s5+$0x6800];
	v9 =	vmax.f32 v9, v10  }
0x99: {  	v16 =	vld [tilespmem:s5+$0x6880];
	v9 =	vmax.f32 v9, v11  }
0x9a: {  	v17 =	vld [tilespmem:s5+$0x6900];
	v9 =	vmax.f32 v9, v12  }
0x9b: {  	v18 =	vld [tilespmem:s5+$0x6980];
	v9 =	vmax.f32 v9, v13  }
0x9c: {  	v9 =	vmax.f32 v9, v14  }
0x9d: {  	v9 =	vmax.f32 v9, v15  }
0x9e: {  	v9 =	vmax.f32 v9, v16  }
0x9f: {  	v9 =	vmax.f32 v9, v17  }
0xa0: {  	v9 =	vmax.f32 v9, v18  }
0xa1: {  	v19 =	vsub.f32 v5, v9  }
0xa2: {  	v20 =	vsub.f32 v2, v9  }
0xa3: {  	v5 =	vmul.f32 $1.442695020e+00, v19  }
0xa4: {  	v21 =	vsub.f32 v3, v9;
	v2 =	vmul.f32 $1.442695020e+00, v20  }
0xa5: {  	(erf) = vpow2.f32 v5  }
0xa6: {  	v22 =	vsub.f32 v4, v9;
	v3 =	vmul.f32 $1.442695020e+00, v21;
	(erf) = vpow2.f32 v2;
	_ =	sdelay $0x1  }
0xa7: {  	v23 =	vsub.f32 v6, v9;
	v4 =	vmul.f32 $1.442695020e+00, v22;
	(erf) = vpow2.f32 v3;
	_ =	sdelay $0x1  }
0xa8: {  	v24 =	vsub.f32 v7, v9;
	v2 =	vmul.f32 $1.442695020e+00, v23;
	(erf) = vpow2.f32 v4;
	_ =	sdelay $0x1  }
0xa9: {  	v25 =	vsub.f32 v8, v9;
	v3 =	vmul.f32 $1.442695020e+00, v24;
	(erf) = vpow2.f32 v2;
	_ =	sdelay $0x1  }
0xaa: {  	v26 =	vsub.f32 v10, v9;
	v4 =	vmul.f32 $1.442695020e+00, v25;
	v5 =	vpop (erf);
	(erf) = vpow2.f32 v3  }
0xab: {  	v27 =	vsub.f32 v11, v9;
	v28 =	vpop (erf)  }
0xac: {  	v2 =	vmul.f32 $1.442695020e+00, v26;
	(erf) = vpow2.f32 v4;
	v5 =	vadd.f32 v28, v5  }
0xad: {  	v29 =	vsub.f32 v12, v9;
	v30 =	vsub.f32 v14, v9;
	v31 =	vpop (erf)  }
0xae: {  	v3 =	vmul.f32 $1.442695020e+00, v27;
	(erf) = vpow2.f32 v2;
	v5 =	vadd.f32 v5, v31  }
0xaf: {  	v32 =	vsub.f32 v13, v9;
	v7 =	vmul.f32 $1.442695020e+00, v30;
	v33 =	vpop (erf)  }
0xb0: {  	v4 =	vmul.f32 $1.442695020e+00, v29;
	(erf) = vpow2.f32 v3;
	v5 =	vadd.f32 v5, v33  }
0xb1: {  	v34 =	vpop (erf);
	(erf) = vpow2.f32 v7  }
0xb2: {  	v2 =	vmul.f32 $1.442695020e+00, v32;
	(erf) = vpow2.f32 v4;
	v5 =	vadd.f32 v5, v34  }
0xb3: {  	v35 =	vpop (erf)  }
0xb4: {  	v36 =	vsub.f32 v15, v9;
	(erf) = vpow2.f32 v2;
	v37 =	vadd.f32 v5, v35  }
0xb5: {  	v38 =	vpop (erf)  }
0xb6: {  	v39 =	vsub.f32 v16, v9;
	v7 =	vmul.f32 $1.442695020e+00, v36;
	v2 =	vadd.f32 v37, v38  }
0xb7: {  	v40 =	vsub.f32 v17, v9;
	v41 =	vpop (erf)  }
0xb8: {  	v11 =	vmul.f32 $1.442695020e+00, v39;
	(erf) = vpow2.f32 v7;
	v2 =	vadd.f32 v2, v41  }
0xb9: {  	v42 =	vsub.f32 v18, v9;
	v43 =	vpop (erf)  }
0xba: {  	v12 =	vmul.f32 $1.442695020e+00, v40;
	(erf) = vpow2.f32 v11;
	v44 =	vpop (erf);
	v2 =	vadd.f32 v2, v43  }
0xbb: {  	v45 =	vpop (erf)  }
0xbc: {  	v7 =	vmul.f32 $1.442695020e+00, v42;
	(erf) = vpow2.f32 v12;
	v2 =	vadd.f32 v2, v45  }
0xbd: {  	v46 =	vpop (erf)  }
0xbe: {  	(erf) = vpow2.f32 v7;
	v2 =	vadd.f32 v2, v46;
	_ =	sdelay $0x1  }
0xbf: {  	v2 =	vadd.f32 v2, v44  }
0xc0: {  	v47 =	vpop (erf)  }
0xc1: {  	v2 =	vadd.f32 v2, v47  }
0xc2: {  	v48 =	vpop (erf)  }
0xc3: {  	v2 =	vadd.f32 v2, v48  }
0xc4: {  	v49 =	vpop (erf)  }
0xc5: {  	v6 =	vsub.f32 v28, v31;
	v2 =	vadd.f32 v2, v49  }
0xc6: {  	v8 =	vadd.f32 v33, v31;
	v51 =	vadd.f32 v41, v34;
	v50 =	vpop (erf)  }
0xc7: {  	v52 =	vadd.f32 v41, v38;
	v2 =	vadd.f32 v2, v50  }
0xc8: {  	v3 =	vadd.f32 v35, v34  }
0xc9: {  	v6 =	vsub.f32 v6, v51;
	v8 =	vadd.f32 v52, v8;
	(erf) = vrcp.f32 v2  }
0xca: {  	v9 =	vadd.f32 v44, v43;
	v5 =	vsub.f32 v38, v45  }
0xcb: {  	v53 =	vadd.f32 v45, v43;
	v12 =	vadd.f32 v44, v46  }
0xcc: {  	v3 =	vadd.f32 v52, v3;
	v5 =	vadd.f32 v5, v5  }
0xcd: {  	v7 =	vadd.f32 v48, v47;
	v54 =	vadd.f32 v12, v53  }
0xce: {  	v55 =	vsub.f32 v8, v53;
	v5 =	vsub.f32 v6, v5  }
0xcf: {  	v56 =	vadd.f32 v54, v7;
	v10 =	vadd.f32 v50, v49  }
0xd0: {  	v57 =	vadd.f32 v5, v9;
	v58 =	vsub.f32 v48, v49  }
0xd1: {  	v8 =	vadd.f32 v56, v10;
	v2 =	vsub.f32 v3, v53  }
0xd2: {  	v60 =	vsub.f32 v55, v7;
	v59 =	vadd.f32 v57, v58;
	v61 =	vpop (erf)  }
0xd3: {  	v2 =	vsub.f32 v2, v12;
	v62 =	vmul.f32 v61, v8  }
0xd4: {  	s1 =	sadd.s32 $0x1, s1;
	v3 =	vmul.f32 v61, v59;
	v4 =	vmul.f32 v61, v60  }
0xd5: {  	p0 =	sne.s32 s1, $0x4;
	v2 =	vmul.f32 v61, v2  }
.Ltmp2:
0xd6: {  	v63 =	vadd.s32 $0x8000, v62;
	v3 =	vadd.s32 $0x8000, v3;
	v4 =	vadd.s32 $0x8000, v4;
	(pc) =	sbr.rel @p0 .LBB2_4-.Ltmp2, $4  }
0xd7: {  	v2 =	vadd.s32 $0x8000, v2;
	v5 =	vshrl.u32 v63, $0x10;
	v4 =	vand.u32 $0xFFFF0000, v4  }
0xd8: {  	v2 =	vshrl.u32 v2, $0x10;
	v3 =	vand.u32 $0xFFFF0000, v3;
	v4 =	vor.u32 v4, v5  }
0xd9: {  	v2 =	vor.u32 v3, v2;
	[tilespmem:v1+s5+$0x0 ss:$0x1] =	vst.idx.msk $0xffff, v4  }
0xda: {  	s4 =	sadd.s32 $0x80, s4;
	s3 =	sadd.s32 $0x80, s3;
	[tilespmem:v0+s5+$0x0 ss:$0x1] =	vst.idx.msk $0xffff, v2  }
0xdb: {  	s0 =	rddreg [dreg:$0xd]  }
0xdc: {  	[spmem:s0] =	stream.linear.scatter [tilespmem:s6], [sflag:$0x3], $0x200, $0x38;
	[tilespmem:$0x1F000] =	vst v63  }
0xdd: {  	_ =	swait.ge [sflag:s21], $0x200  }
0xde: {  	[sflag:s21] =	ssyncset.done $0x0  }
0xdf: {  	s23 =	rddreg [dreg:$0xf];
	[sflag:s21] =	ssyncadd.s32 $0xFFFFFE00  }
0xe0: {  	[spmem:s23] =	stream.linear.scatter [tilespmem:s11], [sflag:$0x3], $0x200, $0x38;
	[tilespmem:$0x1F000] =	vst v63  }
0xe1: {  	_ =	swait.ge [sflag:s21], $0x200  }
0xe2: {  	[sflag:s21] =	ssyncset.done $0x0  }
0xe3: {  	[sflag:s21] =	ssyncadd.s32 $0xFFFFFE00  }
0xe4: {  	[bflag:$0x0] =	sbarrier.arrive $0xFFFF  }
0xe5: {  	s31 =	simm.s32 $0x0;
	s25 =	rddreg [dreg:$0x5]  }
0xe6: {  	[tilespmem:s31], [sflag:$0x3] =	stream.linear.gather [spmem:s25], $0x2000, $0x38;
	[tilespmem:$0x1F000] =	vst v63  }
0xe7: {  	_ =	swait.ge [sflag:s21], $0x2000  }
0xe8: {  	[sflag:s21] =	ssyncset.done $0x0  }
0xe9: {  	[sflag:s21] =	ssyncadd.s32 $0xFFFFE000  }
0xea: {  	s1 =	simm.s32 $0x2200;
	s26 =	rddreg [dreg:$0x6]  }
0xeb: {  	[tilespmem:s1], [sflag:$0x3] =	stream.linear.gather [spmem:s26], $0x2000, $0x38;
	[tilespmem:$0x1F000] =	vst v63  }
0xec: {  	_ =	swait.ge [sflag:s21], $0x2000  }
0xed: {  	[sflag:s21] =	ssyncset.done $0x0  }
0xee: {  	[sflag:s21] =	ssyncadd.s32 $0xFFFFE000  }
0xef: {  	s30 =	simm.s32 $0x4200;
	s29 =	rddreg [dreg:$0x7]  }
0xf0: {  	[tilespmem:s30], [sflag:$0x3] =	stream.linear.gather [spmem:s29], $0x2000, $0x38;
	[tilespmem:$0x1F000] =	vst v63  }
0xf1: {  	_ =	swait.ge [sflag:s21], $0x2000  }
0xf2: {  	[sflag:s21] =	ssyncset.done $0x0  }
0xf3: {  	[sflag:s21] =	ssyncadd.s32 $0xFFFFE000  }
.LBB2_9:
0xf4: {  	s0 =	smov.u32 s31;
	s2 =	sand.u32 $0x1, s31;
	s1 =	sshll.u32 s31, $0x3  }
0xf5: {  	_ =	swait.ge [sflag:s28], $0x8000;
	p0 =	seq.s32 s31, $0xF;
	s31 =	sadd.s32 $0x1, s31  }
0xf6: {  	s25 =	simm.s32 $0x2210;
	s26 =	simm.s32 $0x10;
	s3 =	sadd.s32 s8, s1  }
0xf7: {  	[sflag:s28] =	ssyncset.done $0x0;
	s1 =	sshll.u32 @!p0 s2, $0xF;
	s5 =	simm.s32 @!p0 $0x0  }
0xf8: {  	s2 =	sshll.u32 s2, $0xF;
	[sflag:s28] =	ssyncadd.s32 $0xFFFF8000;
	s4 =	sshll.u32 @!p0 s3, $0x9  }
0xf9: {  	s1 =	sxor.u32 @!p0 $0x8000, s1;
	s29 =	sshll.u32 s3, $0xA;
	s3 =	simm.s32 $0x4210  }
0xfa: {  	s1 =	sor.u32 @!p0 $0x6A00, s1;
	s4 =	sadd.s32 @!p0 s4, s18;
	s30 =	rddreg [dreg:$0x4]  }
0xfb: {  	[tilespmem:s1], [sflag:$0x1] =	stream.linear.gather @!p0 [hbm4b:s4+s5], $0x8000, $0x38;
	[tilespmem:$0x1F000] =	vst v63  }
0xfc: {  	v61 =	vmov s2;
	s1 =	sshll.u32 s0, $0x2;
	s6 =	sadd.s32 s30, s29;
	s4 =	simm.s32 $0x0  }
.LBB2_10:
0xfd: {  	s0 =	sadd.s32 s1, s4  }
0xfe: {  	p0 =	slt.u32 s0, $0x2  }
0xff: {  	s0 =	simm.s32 @!p0 $0x2  }
0x100: {  	_ =	swait.ge @!p0 [sflag:s0], $0x4000  }
0x101: {  	[sflag:s0] =	ssyncset.done @!p0 $0x0  }
0x102: {  	[sflag:s0] =	ssyncadd.s32 @!p0 $0xFFFFC000  }
0x103: {  	v1 =	vld [tilespmem:s26+$0xFFFFFFF0]  }
0x104: {  	v2 =	vld [tilespmem:s26+$0x0];
	_ =	sdelay $0x3  }
0x105: {  	v3 =	vshll.u32 v1, $0x3  }
0x106: {  	v4 =	vshll.u32 v2, $0x3;
	v3 =	vand.u32 $0x7FC00, v3  }
0x107: {  	v5 =	vand.u32 $0x7F, v1;
	v4 =	vand.u32 $0x7FC00, v4;
	v3 =	vadd.s32 v61, v3  }
0x108: {  	v6 =	vand.u32 $0x7F, v2;
	v4 =	vadd.s32 v61, v4;
	v38 =	vor.u32 v5, v3  }
0x109: {  	v7 =	vld [tilespmem:s25+$0x0];
	v3 =	vshrl.u32 v2, $0xD;
	v5 =	vshrl.u32 v1, $0xD;
	v36 =	vor.u32 v6, v4  }
0x10a: {  	v8 =	vld [tilespmem:s25+$0xFFFFFFF0];
	v2 =	vshrl.u32 v2, $0x10;
	v1 =	vshrl.u32 v1, $0x10;
	v5 =	vand.u32 $0x7FC00, v5  }
0x10b: {  	v4 =	vld [tilespmem:s3+$0xFFFFFFF0];
	v3 =	vand.u32 $0x7FC00, v3;
	v1 =	vand.u32 $0x7F, v1;
	v5 =	vadd.s32 v61, v5  }
0x10c: {  	v6 =	vld [tilespmem:s3+$0x0];
	v2 =	vand.u32 $0x7F, v2;
	v3 =	vadd.s32 v61, v3;
	v39 =	vor.u32 v1, v5  }
0x10d: {  	v37 =	vor.u32 v2, v3;
	v9 =	vld.idx.msk [tilespmem:v38+s20+$0x0], $0xffff  }
0x10e: {  	v10 =	vld.idx.msk [tilespmem:v36+s20+$0x0], $0xffff;
	_ =	sdelay $0x2  }
0x10f: {  	v62 =	vand.u32 $0xFFFF0000, v8;
	v0 =	vand.u32 $0xFFFF0000, v4;
	v11 =	vld.idx.msk [tilespmem:v39+s20+$0x0], $0xffff  }
0x110: {  	v8 =	vshll.u32 v8, $0x10;
	v3 =	vand.u32 $0xFFFF0000, v6;
	v12 =	vld.idx.msk [tilespmem:v37+s20+$0x0], $0xffff;
	v13 =	vmul.f32 v0, v9  }
0x111: {  	v1 =	vand.u32 $0xFFFF0000, v7;
	v2 =	vshll.u32 v4, $0x10;
	v14 =	vmul.f32 v3, v10  }
0x112: {  	v59 =	vshll.u32 v6, $0x10;
	v9 =	vmul.f32 v62, v9;
	v13 =	vadd.f32 v2, v13  }
0x113: {  	s13 =	sshll.u32 s4, $0xE;
	v15 =	vor.u32 $0x80, v38;
	v10 =	vmul.f32 v1, v10;
	v14 =	vadd.f32 v59, v14  }
0x114: {  	s2 =	simm.s32 $0x0;
	s0 =	sand.u32 $0x4000, s13;
	v7 =	vshll.u32 v7, $0x10;
	v9 =	vadd.f32 v8, v9;
	v11 =	vmul.f32 v13, v11  }
0x115: {  	s14 =	sand.u32 $0x3C00, s2;
	s5 =	sadd.s32 $0x16A00, s0;
	v10 =	vadd.f32 v7, v10;
	v12 =	vmul.f32 v14, v12;
	v13 =	vor.u32 $0x80, v36  }
0x116: {  	s11 =	simm.s32 $0x10;
	s2 =	sand.u32 $0x60, s2;
	s0 =	sadd.s32 s14, s5;
	v9 =	vadd.f32 v11, v9  }
0x117: {  	s15 =	sand.u32 $0x70, s11;
	s9 =	sadd.s32 s2, s0;
	v10 =	vadd.f32 v12, v10  }
0x118: {  	s11 =	sadd.s32 s15, s0;
	v11 =	vor.u32 $0x80, v39;
	[tilespmem:s9+$0x0] =	vst v9  }
0x119: {  	[tilespmem:s11+$0x0] =	vst v10;
	v10 =	vor.u32 $0x80, v37;
	v9 =	vld.idx.msk [tilespmem:v15+s20+$0x0], $0xffff  }
0x11a: {  	v12 =	vld.idx.msk [tilespmem:v13+s20+$0x0], $0xffff;
	_ =	sdelay $0x2  }
0x11b: {  	v11 =	vld.idx.msk [tilespmem:v11+s20+$0x0], $0xffff  }
0x11c: {  	v10 =	vld.idx.msk [tilespmem:v10+s20+$0x0], $0xffff;
	v13 =	vmul.f32 v0, v9  }
0x11d: {  	v14 =	vmul.f32 v3, v12  }
0x11e: {  	s16 =	sadd.s32 $0x20, s26;
	v9 =	vmul.f32 v62, v9;
	v13 =	vadd.f32 v2, v13  }
0x11f: {  	v15 =	vld [tilespmem:s16+$0xFFFFFFF0];
	v12 =	vmul.f32 v1, v12;
	v14 =	vadd.f32 v59, v14  }
0x120: {  	v9 =	vadd.f32 v8, v9;
	v11 =	vmul.f32 v13, v11  }
0x121: {  	s17 =	sadd.s32 $0x20, s25;
	v12 =	vadd.f32 v7, v12;
	v10 =	vmul.f32 v14, v10;
	v13 =	vor.u32 $0x100, v36;
	v14 =	vld [tilespmem:s16+$0x0]  }
0x122: {  	v24 =	vld [tilespmem:s17+$0xFFFFFFF0];
	v9 =	vadd.f32 v11, v9  }
0x123: {  	v10 =	vadd.f32 v10, v12  }
0x124: {  	v11 =	vshll.u32 v15, $0x3;
	[tilespmem:s9+$0x80] =	vst v9  }
0x125: {  	v16 =	vor.u32 $0x100, v38;
	v9 =	vand.u32 $0x7FC00, v11;
	v11 =	vor.u32 $0x100, v37;
	[tilespmem:s11+$0x80] =	vst v10  }
0x126: {  	v10 =	vand.u32 $0x7F, v15;
	v9 =	vadd.s32 v61, v9;
	v12 =	vld.idx.msk [tilespmem:v13+s20+$0x0], $0xffff;
	v13 =	vshll.u32 v14, $0x3  }
0x127: {  	v22 =	vld [tilespmem:s17+$0x0];
	s14 =	sadd.s32 $0x20, s3;
	v20 =	vshll.u32 v24, $0x10;
	v17 =	vor.u32 v10, v9;
	v10 =	vand.u32 $0x7FC00, v13  }
0x128: {  	v21 =	vld [tilespmem:s14+$0xFFFFFFF0];
	v9 =	vand.u32 $0x7F, v14;
	v13 =	vshrl.u32 v15, $0xD;
	v10 =	vadd.s32 v61, v10  }
0x129: {  	v23 =	vld [tilespmem:s14+$0x0];
	v15 =	vshrl.u32 v15, $0x10;
	v13 =	vand.u32 $0x7FC00, v13;
	v6 =	vor.u32 v9, v10  }
0x12a: {  	v18 =	vld.idx.msk [tilespmem:v16+s20+$0x0], $0xffff;
	v9 =	vadd.s32 v61, v13;
	v10 =	vand.u32 $0x7F, v15;
	v15 =	vshrl.u32 v14, $0xD  }
0x12b: {  	v11 =	vld.idx.msk [tilespmem:v11+s20+$0x0], $0xffff;
	v58 =	vor.u32 v10, v9;
	v9 =	vshrl.u32 v14, $0x10;
	v10 =	vand.u32 $0x7FC00, v15  }
0x12c: {  	v14 =	vmul.f32 v3, v12;
	v9 =	vand.u32 $0x7F, v9;
	v10 =	vadd.s32 v61, v10;
	v15 =	vld.idx.msk [tilespmem:v17+s20+$0x0], $0xffff  }
0x12d: {  	v60 =	vand.u32 $0xFFFF0000, v21;
	v63 =	vshll.u32 v21, $0x10;
	v13 =	vor.u32 v9, v10  }
0x12e: {  	v26 =	vor.u32 $0x180, v36;
	v10 =	vmul.f32 v1, v12;
	v12 =	vadd.f32 v59, v14;
	v28 =	vld.idx.msk [tilespmem:v6+s20+$0x0], $0xffff  }
0x12f: {  	v25 =	vor.u32 $0x100, v39;
	v27 =	vor.u32 $0x180, v37;
	v4 =	vand.u32 $0xFFFF0000, v22  }
0x130: {  	v16 =	vand.u32 $0xFFFF0000, v23;
	v31 =	vadd.f32 v7, v10;
	v30 =	vld.idx.msk [tilespmem:v58+s20+$0x0], $0xffff;
	v12 =	vmul.f32 v12, v11  }
0x131: {  	v29 =	vmul.f32 v0, v18;
	v11 =	vmovc v4;
	v4 =	vand.u32 $0xFFFF0000, v24;
	v32 =	vmul.f32 v60, v15  }
0x132: {  	v54 =	vmul.f32 v62, v18;
	v21 =	vld.idx.msk [tilespmem:v13+s20+$0x0], $0xffff;
	v31 =	vadd.f32 v12, v31;
	v33 =	vmul.f32 v4, v15  }
0x133: {  	v15 =	vshll.u32 v23, $0x10;
	v32 =	vadd.f32 v63, v32;
	v23 =	vmul.f32 v16, v28  }
0x134: {  	v18 =	vshll.u32 v22, $0x10;
	v24 =	vld.idx.msk [tilespmem:v25+s20+$0x0], $0xffff;
	v25 =	vor.u32 $0x80, v17;
	[tilespmem:s11+$0x100] =	vst v31;
	v28 =	vmul.f32 v11, v28  }
0x135: {  	s12 =	simm.s32 $0x100;
	v31 =	vadd.f32 v20, v33;
	v26 =	vld.idx.msk [tilespmem:v26+s20+$0x0], $0xffff;
	v30 =	vmul.f32 v32, v30;
	v23 =	vadd.f32 v15, v23  }
0x136: {  	s12 =	sand.u32 $0x3C00, s12;
	s13 =	simm.s32 $0x20;
	v29 =	vadd.f32 v2, v29;
	v28 =	vadd.f32 v18, v28  }
0x137: {  	s13 =	sand.u32 $0x60, s13;
	s15 =	sadd.s32 s12, s5;
	v22 =	vadd.f32 v30, v31;
	v21 =	vmul.f32 v23, v21;
	v23 =	vor.u32 $0x80, v6  }
0x138: {  	s19 =	simm.s32 $0x30;
	s12 =	sadd.s32 s13, s15;
	v30 =	vadd.f32 v8, v54  }
0x139: {  	s13 =	sand.u32 $0x70, s19;
	v27 =	vld.idx.msk [tilespmem:v27+s20+$0x0], $0xffff;
	v31 =	vor.u32 $0x80, v58;
	[tilespmem:s12+$0x0] =	vst v22;
	v22 =	vmul.f32 v29, v24;
	v21 =	vadd.f32 v21, v28  }
0x13a: {  	s13 =	sadd.s32 s13, s15;
	v24 =	vor.u32 $0x180, v38;
	v28 =	vmul.f32 v3, v26;
	v25 =	vld.idx.msk [tilespmem:v25+s20+$0x0], $0xffff  }
0x13b: {  	v22 =	vadd.f32 v22, v30;
	[tilespmem:s13+$0x0] =	vst v21  }
0x13c: {  	s2 =	sadd.s32 $0x20, s16;
	v26 =	vmul.f32 v1, v26;
	v21 =	vld.idx.msk [tilespmem:v23+s20+$0x0], $0xffff;
	v23 =	vadd.f32 v59, v28;
	v28 =	vor.u32 $0x80, v13  }
0x13d: {  	v55 =	vld [tilespmem:s2+$0xFFFFFFF0];
	[tilespmem:s9+$0x100] =	vst v22;
	v22 =	vor.u32 $0x180, v39  }
0x13e: {  	v26 =	vadd.f32 v7, v26;
	v29 =	vld.idx.msk [tilespmem:v31+s20+$0x0], $0xffff;
	v23 =	vmul.f32 v23, v27;
	v27 =	vor.u32 $0x200, v36  }
0x13f: {  	v24 =	vld.idx.msk [tilespmem:v24+s20+$0x0], $0xffff;
	v30 =	vmul.f32 v60, v25  }
0x140: {  	v23 =	vadd.f32 v23, v26  }
0x141: {  	v25 =	vmul.f32 v4, v25;
	v26 =	vadd.f32 v63, v30;
	v28 =	vld.idx.msk [tilespmem:v28+s20+$0x0], $0xffff  }
0x142: {  	v30 =	vor.u32 $0x200, v37;
	v31 =	vmul.f32 v16, v21;
	v22 =	vld.idx.msk [tilespmem:v22+s20+$0x0], $0xffff;
	[tilespmem:s11+$0x180] =	vst v23  }
0x143: {  	v23 =	vadd.f32 v20, v25;
	v25 =	vor.u32 $0x100, v17;
	v26 =	vmul.f32 v26, v29;
	v27 =	vld.idx.msk [tilespmem:v27+s20+$0x0], $0xffff  }
0x144: {  	v48 =	vand.u32 $0x7F, v55;
	v34 =	vor.u32 $0x300, v36;
	v29 =	vmul.f32 v0, v24  }
0x145: {  	v21 =	vmul.f32 v11, v21;
	v31 =	vadd.f32 v15, v31;
	v23 =	vadd.f32 v26, v23  }
0x146: {  	v35 =	vor.u32 $0x280, v38;
	v24 =	vmul.f32 v62, v24;
	v26 =	vadd.f32 v2, v29  }
0x147: {  	v21 =	vadd.f32 v18, v21;
	v29 =	vld.idx.msk [tilespmem:v30+s20+$0x0], $0xffff;
	v28 =	vmul.f32 v31, v28;
	v30 =	vor.u32 $0x100, v6;
	[tilespmem:s12+$0x80] =	vst v23  }
0x148: {  	v23 =	vadd.f32 v8, v24;
	v22 =	vmul.f32 v26, v22;
	v24 =	vld.idx.msk [tilespmem:v25+s20+$0x0], $0xffff;
	v26 =	vmul.f32 v3, v27  }
0x149: {  	v40 =	vor.u32 $0x280, v39;
	v25 =	vor.u32 $0x200, v38;
	v21 =	vadd.f32 v28, v21  }
0x14a: {  	v27 =	vmul.f32 v1, v27;
	v22 =	vadd.f32 v22, v23;
	v23 =	vadd.f32 v59, v26  }
0x14b: {  	v41 =	vor.u32 $0x280, v37;
	v42 =	vor.u32 $0x180, v6;
	v43 =	vor.u32 $0x180, v13;
	v26 =	vld [tilespmem:s2+$0x0]  }
0x14c: {  	v32 =	vshrl.u32 v55, $0x10;
	[tilespmem:s13+$0x80] =	vst v21;
	v21 =	vadd.f32 v7, v27;
	v23 =	vmul.f32 v23, v29  }
0x14d: {  	v31 =	vor.u32 $0x100, v58;
	v30 =	vld.idx.msk [tilespmem:v30+s20+$0x0], $0xffff;
	v29 =	vmul.f32 v4, v24;
	v24 =	vmul.f32 v60, v24  }
0x14e: {  	v28 =	vor.u32 $0x100, v13;
	[tilespmem:s9+$0x180] =	vst v22;
	v22 =	vor.u32 $0x200, v39;
	v21 =	vadd.f32 v23, v21  }
0x14f: {  	v27 =	vor.u32 $0x280, v36;
	v25 =	vld.idx.msk [tilespmem:v25+s20+$0x0], $0xffff;
	v44 =	vadd.f32 v20, v29;
	v45 =	vadd.f32 v63, v24  }
0x150: {  	v23 =	vand.u32 $0x7F, v26;
	v24 =	vshll.u32 v26, $0x3;
	v29 =	vshrl.u32 v26, $0xD  }
0x151: {  	s15 =	sadd.s32 $0x20, s14;
	v56 =	vshrl.u32 v26, $0x10;
	v26 =	vshll.u32 v55, $0x3;
	v24 =	vand.u32 $0x7FC00, v24  }
0x152: {  	v49 =	vld [tilespmem:s15+$0xFFFFFFF0];
	[tilespmem:s11+$0x200] =	vst v21;
	v21 =	vmul.f32 v16, v30;
	v26 =	vand.u32 $0x7FC00, v26;
	v29 =	vand.u32 $0x7FC00, v29  }
0x153: {  	v22 =	vld.idx.msk [tilespmem:v22+s20+$0x0], $0xffff;
	v33 =	vand.u32 $0x7F, v56;
	v52 =	vmul.f32 v11, v30;
	v24 =	vadd.s32 v61, v24  }
0x154: {  	v46 =	vld.idx.msk [tilespmem:v27+s20+$0x0], $0xffff;
	v26 =	vadd.s32 v61, v26;
	v47 =	vmul.f32 v62, v25;
	v25 =	vmul.f32 v0, v25  }
0x155: {  	v57 =	vld.idx.msk [tilespmem:v28+s20+$0x0], $0xffff;
	v28 =	vadd.s32 v61, v29;
	v27 =	vor.u32 v23, v24;
	v23 =	vshrl.u32 v55, $0xD  }
0x156: {  	s17 =	sadd.s32 $0x20, s17;
	v26 =	vor.u32 v48, v26;
	v48 =	vld [tilespmem:s15+$0x0];
	v28 =	vor.u32 v33, v28;
	v24 =	vadd.f32 v2, v25  }
0x157: {  	v50 =	vld [tilespmem:s17+$0xFFFFFFF0];
	v21 =	vadd.f32 v15, v21;
	v52 =	vadd.f32 v18, v52;
	v23 =	vand.u32 $0x7FC00, v23  }
0x158: {  	v25 =	vld [tilespmem:s17+$0x0];
	v23 =	vadd.s32 v61, v23;
	v22 =	vmul.f32 v24, v22;
	v24 =	vand.u32 $0x7F, v32  }
0x159: {  	v47 =	vadd.f32 v8, v47;
	v51 =	vmul.f32 v3, v46;
	v24 =	vor.u32 v24, v23  }
0x15a: {  	v12 =	vmovc v4;
	v32 =	vmul.f32 v21, v57;
	v21 =	vshll.u32 v49, $0x10;
	v53 =	vld.idx.msk [tilespmem:v27+s20+$0x0], $0xffff;
	v4 =	vor.u32 $0x100, v24  }
0x15b: {  	v23 =	vmul.f32 v1, v46;
	v30 =	vand.u32 $0xFFFF0000, v48;
	v46 =	vadd.f32 v22, v47;
	v47 =	vld.idx.msk [tilespmem:v26+s20+$0x0], $0xffff;
	[tilespmem:$0x1FFF0] =	vst v4  }
0x15c: {  	v22 =	vand.u32 $0xFFFF0000, v49;
	v49 =	vadd.f32 v59, v51;
	v52 =	vadd.f32 v32, v52;
	v41 =	vld.idx.msk [tilespmem:v41+s20+$0x0], $0xffff  }
0x15d: {  	v54 =	vadd.f32 v7, v23;
	v29 =	vand.u32 $0xFFFF0000, v25;
	v23 =	vand.u32 $0xFFFF0000, v50;
	v55 =	vld.idx.msk [tilespmem:v31+s20+$0x0], $0xffff  }
0x15e: {  	v32 =	vshll.u32 v25, $0x10;
	v25 =	vshll.u32 v50, $0x10;
	v50 =	vor.u32 $0x80, v24;
	v51 =	vld.idx.msk [tilespmem:v28+s20+$0x0], $0xffff  }
0x15f: {  	v31 =	vshll.u32 v48, $0x10;
	[tilespmem:s9+$0x200] =	vst v46;
	v46 =	vor.u32 $0x80, v26;
	v48 =	vld.idx.msk [tilespmem:v24+s20+$0x0], $0xffff;
	v56 =	vmul.f32 v30, v53  }
0x160: {  	[tilespmem:s13+$0x100] =	vst v52;
	v52 =	vld.idx.msk [tilespmem:v35+s20+$0x0], $0xffff;
	v35 =	vor.u32 $0x380, v38;
	v57 =	vmul.f32 v22, v47;
	v47 =	vmul.f32 v23, v47  }
0x161: {  	v42 =	vld.idx.msk [tilespmem:v42+s20+$0x0], $0xffff;
	v38 =	vor.u32 $0x300, v38;
	v53 =	vmul.f32 v29, v53;
	v56 =	vadd.f32 v31, v56  }
0x162: {  	v33 =	vadd.f32 v21, v57;
	v41 =	vmul.f32 v49, v41;
	v47 =	vadd.f32 v25, v47  }
0x163: {  	v49 =	vadd.f32 v32, v53;
	v53 =	vor.u32 $0x300, v37;
	v45 =	vmul.f32 v45, v55  }
0x164: {  	s29 =	simm.s32 $0x200;
	v43 =	vld.idx.msk [tilespmem:v43+s20+$0x0], $0xffff;
	v57 =	vmul.f32 v33, v48;
	v41 =	vadd.f32 v41, v54;
	v33 =	vmul.f32 v56, v51  }
0x165: {  	s30 =	simm.s32 $0x40;
	s22 =	sand.u32 $0x3C00, s29;
	v40 =	vld.idx.msk [tilespmem:v40+s20+$0x0], $0xffff;
	v51 =	vor.u32 $0x80, v27;
	v54 =	vor.u32 $0x180, v17;
	v44 =	vadd.f32 v45, v44  }
0x166: {  	s23 =	sand.u32 $0x60, s30;
	s0 =	sadd.s32 s22, s5;
	s16 =	simm.s32 $0x50;
	v56 =	vmul.f32 v11, v42;
	v42 =	vmul.f32 v16, v42;
	v47 =	vadd.f32 v57, v47;
	[tilespmem:s11+$0x280] =	vst v41  }
0x167: {  	s14 =	sadd.s32 s23, s0;
	s16 =	sand.u32 $0x70, s16;
	v37 =	vor.u32 $0x380, v37;
	v55 =	vadd.f32 v33, v49;
	v57 =	vmul.f32 v0, v52;
	[tilespmem:s12+$0x100] =	vst v44;
	v45 =	vld.idx.msk [tilespmem:v34+s20+$0x0], $0xffff  }
0x168: {  	s16 =	sadd.s32 s16, s0;
	v41 =	vor.u32 $0x180, v58;
	v48 =	vadd.f32 v18, v56;
	v42 =	vadd.f32 v15, v42;
	[tilespmem:s14+$0x0] =	vst v47  }
0x169: {  	v44 =	vor.u32 $0x80, v28;
	v47 =	vmul.f32 v62, v52;
	[tilespmem:s16+$0x0] =	vst v55;
	v49 =	vadd.f32 v2, v57;
	v46 =	vld.idx.msk [tilespmem:v46+s20+$0x0], $0xffff  }
0x16a: {  	v56 =	vor.u32 $0x380, v36;
	v42 =	vmul.f32 v42, v43;
	v43 =	vor.u32 $0x200, v6;
	v51 =	vld.idx.msk [tilespmem:v51+s20+$0x0], $0xffff  }
0x16b: {  	v34 =	vor.u32 $0x380, v39;
	v52 =	vld.idx.msk [tilespmem:v54+s20+$0x0], $0xffff;
	v47 =	vadd.f32 v8, v47;
	v40 =	vmul.f32 v49, v40  }
0x16c: {  	v39 =	vor.u32 $0x300, v39;
	v42 =	vadd.f32 v42, v48;
	v48 =	vld.idx.msk [tilespmem:v53+s20+$0x0], $0xffff;
	v33 =	vmul.f32 v1, v45  }
0x16d: {  	v54 =	vor.u32 $0x200, v13;
	v50 =	vld.idx.msk [tilespmem:v50+s20+$0x0], $0xffff;
	v45 =	vmul.f32 v3, v45;
	v40 =	vadd.f32 v40, v47  }
0x16e: {  	v47 =	vld.idx.msk [tilespmem:v44+s20+$0x0], $0xffff;
	[tilespmem:s13+$0x180] =	vst v42;
	v42 =	vor.u32 $0x100, v26;
	v57 =	vmul.f32 v22, v46;
	v53 =	vadd.f32 v7, v33  }
0x16f: {  	v43 =	vld.idx.msk [tilespmem:v43+s20+$0x0], $0xffff;
	v45 =	vadd.f32 v59, v45;
	v46 =	vmul.f32 v23, v46;
	v55 =	vmul.f32 v30, v51  }
0x170: {  	v49 =	vmul.f32 v60, v52;
	v33 =	vadd.f32 v21, v57;
	v57 =	vld.idx.msk [tilespmem:v41+s20+$0x0], $0xffff;
	v41 =	vmul.f32 v12, v52  }
0x171: {  	v36 =	vadd.f32 v25, v46;
	v46 =	vmul.f32 v29, v51;
	v48 =	vmul.f32 v45, v48  }
0x172: {  	[tilespmem:s9+$0x280] =	vst v40;
	v49 =	vadd.f32 v63, v49;
	v45 =	vor.u32 $0x100, v27;
	v52 =	vmul.f32 v33, v50  }
0x173: {  	v50 =	vld.idx.msk [tilespmem:v38+s20+$0x0], $0xffff;
	v33 =	vadd.f32 v31, v55;
	v48 =	vadd.f32 v48, v53;
	v38 =	vor.u32 $0x280, v17  }
0x174: {  	v44 =	vld.idx.msk [tilespmem:v54+s20+$0x0], $0xffff;
	v53 =	vmul.f32 v16, v43;
	v40 =	vadd.f32 v52, v36;
	v52 =	vadd.f32 v20, v41  }
0x175: {  	v36 =	vor.u32 $0x300, v6;
	v54 =	vmul.f32 v33, v47;
	v41 =	vld.idx.msk [tilespmem:v39+s20+$0x0], $0xffff;
	[tilespmem:s11+$0x300] =	vst v48;
	v57 =	vmul.f32 v49, v57  }
0x176: {  	v39 =	vadd.f32 v32, v46;
	v47 =	vor.u32 $0x100, v28;
	v46 =	vor.u32 $0x200, v17;
	v37 =	vld.idx.msk [tilespmem:v37+s20+$0x0], $0xffff  }
0x177: {  	v48 =	vor.u32 $0x280, v6;
	[tilespmem:s14+$0x80] =	vst v40;
	v40 =	vld.idx.msk [tilespmem:v56+s20+$0x0], $0xffff;
	v33 =	vadd.f32 v57, v52;
	v57 =	vmul.f32 v11, v43  }
0x178: {  	v4 =	vmovc v0;
	v51 =	vld.idx.msk [tilespmem:v42+s20+$0x0], $0xffff;
	v43 =	vmul.f32 v0, v50;
	v52 =	vadd.f32 v54, v39;
	v39 =	vor.u32 $0x280, v58  }
0x179: {  	s19 =	sshll.u32 s4, $0xB;
	s0 =	simm.s32 $0x4;
	s2 =	sadd.s32 $0x20, s2;
	v42 =	vmul.f32 v62, v50;
	v50 =	vadd.f32 v15, v53;
	[tilespmem:s12+$0x180] =	vst v33;
	v49 =	vadd.f32 v18, v57  }
.LBB2_11:
0x17a: {  	v53 =	vld [tilespmem:s2+$0x0]  }
0x17b: {  	v54 =	vor.u32 $0x280, v13;
	v55 =	vadd.f32 v2, v43;
	v44 =	vmul.f32 v50, v44  }
0x17c: {  	v57 =	vld.idx.msk [tilespmem:v46+s20+$0x0], $0xffff;
	[tilespmem:s16+$0x80] =	vst v52;
	v52 =	vor.u32 $0x200, v58;
	v43 =	vor.u32 $0x180, v28;
	v42 =	vadd.f32 v8, v42  }
0x17d: {  	v14 =	vmovc v58;
	v58 =	vld [tilespmem:s2+$0xFFFFFFF0];
	v44 =	vadd.f32 v44, v49;
	v49 =	vmul.f32 v55, v41;
	v50 =	vmul.f32 v23, v51  }
0x17e: {  	[tilespmem:$0x1FFE0] =	vst v6;
	v56 =	vld.idx.msk [tilespmem:v45+s20+$0x0], $0xffff;
	v45 =	vor.u32 $0x180, v27;
	v51 =	vmul.f32 v22, v51;
	v33 =	vmul.f32 v3, v40  }
0x17f: {  	v9 =	vmovc v16;
	v6 =	vmovc v2;
	v0 =	vmul.f32 v1, v40;
	v40 =	vand.u32 $0x7F, v53;
	v42 =	vadd.f32 v49, v42  }
0x180: {  	v16 =	vmovc v30;
	v10 =	vmovc v15;
	v30 =	vshrl.u32 v53, $0x10;
	v41 =	vadd.f32 v25, v50;
	v46 =	vadd.f32 v21, v51  }
0x181: {  	v15 =	vmovc v31;
	v2 =	vmovc v11;
	v49 =	vadd.f32 v59, v33;
	v50 =	vshrl.u32 v53, $0xD;
	v51 =	vadd.f32 v7, v0  }
0x182: {  	v11 =	vmovc v18;
	v18 =	vmovc v32;
	[tilespmem:s13+$0x200] =	vst v44;
	v31 =	vshll.u32 v58, $0x3;
	v55 =	vshrl.u32 v58, $0xD;
	v32 =	vand.u32 $0x7F, v58  }
0x183: {  	v48 =	vld.idx.msk [tilespmem:v48+s20+$0x0], $0xffff;
	v30 =	vand.u32 $0x7F, v30;
	v31 =	vand.u32 $0x7FC00, v31;
	v33 =	vmovc v29;
	v29 =	vshll.u32 v53, $0x3  }
0x184: {  	v50 =	vand.u32 $0x7FC00, v50;
	v31 =	vadd.s32 v61, v31;
	v7 =	vand.u32 $0x7FC00, v29;
	v29 =	vld.idx.msk [tilespmem:v52+s20+$0x0], $0xffff;
	[tilespmem:s9+$0x300] =	vst v42  }
0x185: {  	s17 =	sadd.s32 $0x20, s17;
	v52 =	vmul.f32 v12, v57;
	v57 =	vmul.f32 v60, v57;
	v42 =	vadd.s32 v61, v7;
	v35 =	vld.idx.msk [tilespmem:v35+s20+$0x0], $0xffff  }
0x186: {  	s15 =	sadd.s32 $0x20, s15;
	v53 =	vmul.f32 v16, v56;
	v44 =	vor.u32 v32, v31;
	v7 =	vld [tilespmem:s17+$0xFFFFFFF0];
	v40 =	vor.u32 v40, v42  }
0x187: {  	v42 =	vshrl.u32 v58, $0x10;
	v58 =	vld [tilespmem:s15+$0xFFFFFFF0];
	v31 =	vadd.f32 v63, v57;
	v57 =	vand.u32 $0x7FC00, v55  }
0x188: {  	v50 =	vadd.s32 v61, v50;
	v37 =	vmul.f32 v49, v37;
	v55 =	vld [tilespmem:s17+$0x0];
	v32 =	vadd.s32 v61, v57  }
0x189: {  	v42 =	vand.u32 $0x7F, v42;
	v29 =	vmul.f32 v31, v29;
	v31 =	vmul.f32 v33, v56;
	v56 =	vld.idx.msk [tilespmem:v47+s20+$0x0], $0xffff  }
0x18a: {  	v47 =	vor.u32 v42, v32;
	v32 =	vmul.f32 v62, v35;
	v35 =	vmul.f32 v4, v35;
	v4 =	vld [tilespmem:$0x1FFF0]  }
0x18b: {  	v53 =	vadd.f32 v15, v53;
	v59 =	vmul.f32 v9, v48;
	v48 =	vmul.f32 v2, v48;
	v57 =	vld [tilespmem:s15+$0x0]  }
0x18c: {  	v37 =	vadd.f32 v37, v51;
	v52 =	vadd.f32 v20, v52;
	v62 =	vmovc v12;
	v12 =	vmov v63;
	v63 =	vld.idx.msk [tilespmem:v44+s20+$0x0], $0xffff  }
0x18d: {  	v48 =	vadd.f32 v11, v48;
	v42 =	vor.u32 v30, v50;
	v3 =	vor.u32 $0x100, v47  }
0x18e: {  	v19 =	vmovc v23;
	v1 =	vmovc v61;
	v23 =	vand.u32 $0xFFFF0000, v7;
	v52 =	vadd.f32 v29, v52;
	v61 =	vld.idx.msk [tilespmem:v40+s20+$0x0], $0xffff;
	v50 =	vand.u32 $0xFFFF0000, v58  }
0x18f: {  	v5 =	vmovc v60;
	v29 =	vand.u32 $0xFFFF0000, v55;
	v0 =	vadd.f32 v18, v31;
	v58 =	vshll.u32 v58, $0x10  }
0x190: {  	v60 =	vmovc v22;
	v34 =	vld.idx.msk [tilespmem:v34+s20+$0x0], $0xffff;
	v30 =	vand.u32 $0xFFFF0000, v57;
	v31 =	vshll.u32 v57, $0x10;
	v8 =	vadd.f32 v8, v32;
	v22 =	vmovc v50  }
0x191: {  	v54 =	vld.idx.msk [tilespmem:v54+s20+$0x0], $0xffff;
	v32 =	vshll.u32 v55, $0x10;
	v55 =	vshll.u32 v7, $0x10;
	v51 =	vmul.f32 v22, v63  }
0x192: {  	v7 =	vmov v11;
	v57 =	vld.idx.msk [tilespmem:v4+s20+$0x0], $0xffff;
	[tilespmem:s12+$0x200] =	vst v52;
	v52 =	vmul.f32 v53, v56;
	v53 =	vadd.f32 v10, v59  }
0x193: {  	v49 =	vld.idx.msk [tilespmem:v42+s20+$0x0], $0xffff;
	v59 =	vmul.f32 v30, v61;
	v4 =	vadd.f32 v6, v35;
	v35 =	vmul.f32 v29, v61  }
0x194: {  	v6 =	vmovc v3;
	v61 =	vmovc v1;
	v1 =	vmov v2;
	v2 =	vmov v12;
	v56 =	vmul.f32 v23, v63;
	v50 =	vld.idx.msk [tilespmem:v47+s20+$0x0], $0xffff  }
0x195: {  	v63 =	vmovc v21;
	v0 =	vadd.f32 v52, v0;
	v52 =	vadd.f32 v31, v59;
	v34 =	vmul.f32 v4, v34  }
0x196: {  	v21 =	vmovc v58;
	v39 =	vld.idx.msk [tilespmem:v39+s20+$0x0], $0xffff;
	v59 =	vor.u32 $0x80, v44;
	v58 =	vmul.f32 v53, v54;
	v35 =	vadd.f32 v32, v35  }
0x197: {  	v38 =	vld.idx.msk [tilespmem:v38+s20+$0x0], $0xffff;
	v53 =	vor.u32 $0x300, v17;
	[tilespmem:s16+$0x100] =	vst v0;
	v0 =	vadd.f32 v21, v51;
	v4 =	vadd.f32 v34, v8  }
0x198: {  	s29 =	sadd.s32 $0x100, s29;
	[tilespmem:$0x1FFF0] =	vst v6;
	v34 =	vadd.f32 v55, v56;
	v56 =	vor.u32 $0x300, v13;
	v58 =	vadd.f32 v58, v48;
	v45 =	vld.idx.msk [tilespmem:v45+s20+$0x0], $0xffff  }
0x199: {  	s30 =	sadd.s32 $0x20, s30;
	s22 =	sand.u32 $0x3C00, s29;
	v6 =	vmovc v27;
	v48 =	vor.u32 $0x80, v47;
	v49 =	vmul.f32 v52, v49;
	[tilespmem:s11+$0x380] =	vst v37;
	s11 =	smov.u32 s13;
	v0 =	vmul.f32 v0, v50  }
0x19a: {  	s23 =	sadd.s32 $0x10, s30;
	s22 =	sadd.s32 s22, s5;
	v8 =	vmovc v20;
	v20 =	vmov v25;
	v57 =	vmul.f32 v46, v57;
	v50 =	vor.u32 $0x80, v40;
	v43 =	vld.idx.msk [tilespmem:v43+s20+$0x0], $0xffff;
	[tilespmem:s11+$0x280] =	vst v58  }
0x19b: {  	s23 =	sand.u32 $0x70, s23;
	v51 =	vor.u32 $0x180, v26;
	v25 =	vmovc v55;
	s13 =	smov.u32 s16;
	s16 =	sand.u32 $0x60, s30;
	v52 =	vadd.f32 v49, v35;
	v36 =	vld.idx.msk [tilespmem:v36+s20+$0x0], $0xffff;
	v0 =	vadd.f32 v0, v34  }
0x19c: {  	[tilespmem:s9+$0x380] =	vst v4;
	s9 =	smov.u32 s12;
	s12 =	smov.u32 s14;
	s14 =	sadd.s32 s16, s22;
	v49 =	vmul.f32 v62, v38;
	v38 =	vmul.f32 v5, v38;
	v37 =	vadd.f32 v57, v41  }
0x19d: {  	s16 =	sadd.s32 s23, s22;
	v35 =	vor.u32 $0x380, v17;
	[tilespmem:s14+$0x0] =	vst v0;
	v0 =	vmul.f32 v33, v45;
	v54 =	vmul.f32 v16, v45;
	v45 =	vld.idx.msk [tilespmem:v56+s20+$0x0], $0xffff  }
0x19e: {  	v17 =	vmovc v26;
	v34 =	vor.u32 $0x380, v14;
	v38 =	vadd.f32 v2, v38;
	[tilespmem:s16+$0x0] =	vst v52;
	v52 =	vor.u32 $0x80, v42;
	v46 =	vld.idx.msk [tilespmem:v59+s20+$0x0], $0xffff  }
0x19f: {  	v57 =	vadd.f32 v8, v49;
	v50 =	vld.idx.msk [tilespmem:v50+s20+$0x0], $0xffff;
	[tilespmem:s12+$0x100] =	vst v37;
	v37 =	vor.u32 $0x180, v24;
	v41 =	vadd.f32 v15, v54  }
0x1a0: {  	v38 =	vmul.f32 v38, v39;
	v0 =	vadd.f32 v18, v0;
	v51 =	vld.idx.msk [tilespmem:v51+s20+$0x0], $0xffff;
	v55 =	vmul.f32 v1, v36  }
0x1a1: {  	v26 =	vmovc v44;
	v58 =	vmovc v24;
	v36 =	vmul.f32 v9, v36;
	v41 =	vmul.f32 v41, v43;
	v43 =	vor.u32 $0x200, v27  }
0x1a2: {  	v24 =	vmovc v47;
	v47 =	vor.u32 $0x200, v28;
	v44 =	vld.idx.msk [tilespmem:v48+s20+$0x0], $0xffff;
	v38 =	vadd.f32 v38, v57;
	v48 =	vadd.f32 v7, v55  }
0x1a3: {  	v36 =	vadd.f32 v10, v36;
	v49 =	vld.idx.msk [tilespmem:v52+s20+$0x0], $0xffff;
	v0 =	vadd.f32 v41, v0;
	v56 =	vmul.f32 v22, v46  }
0x1a4: {  	v54 =	vor.u32 $0x300, v14;
	v37 =	vld.idx.msk [tilespmem:v37+s20+$0x0], $0xffff;
	v46 =	vmul.f32 v23, v46;
	v52 =	vmul.f32 v30, v50;
	[tilespmem:s9+$0x280] =	vst v38  }
0x1a5: {  	v55 =	vor.u32 $0x100, v26;
	v27 =	vmovc v40;
	v41 =	vmul.f32 v60, v51;
	v39 =	vadd.f32 v21, v56;
	[tilespmem:s13+$0x180] =	vst v0;
	v0 =	vld [tilespmem:$0x1FFE0]  }
0x1a6: {  	v51 =	vmul.f32 v19, v51;
	v46 =	vadd.f32 v25, v46;
	v40 =	vadd.f32 v31, v52;
	v43 =	vld.idx.msk [tilespmem:v43+s20+$0x0], $0xffff  }
0x1a7: {  	v52 =	vadd.f32 v63, v41;
	v57 =	vmul.f32 v39, v44;
	v39 =	vmul.f32 v29, v50;
	v50 =	vld.idx.msk [tilespmem:v53+s20+$0x0], $0xffff  }
0x1a8: {  	v56 =	vadd.f32 v20, v51;
	v53 =	vor.u32 $0x380, v13;
	v44 =	vld.idx.msk [tilespmem:v47+s20+$0x0], $0xffff;
	v47 =	vmul.f32 v36, v45  }
0x1a9: {  	s0 =	sadd.s32 $0x2, s0;
	v11 =	vmovc v33;
	v36 =	vor.u32 $0x300, v6;
	v49 =	vmul.f32 v40, v49;
	v38 =	vadd.f32 v57, v46  }
0x1aa: {  	p0 =	slt.u32 s0, $0x7E;
	v41 =	vld.idx.msk [tilespmem:v54+s20+$0x0], $0xffff;
	v13 =	vmovc v28;
	v45 =	vor.u32 $0x100, v27;
	v28 =	vmovc v42;
	v54 =	vadd.f32 v47, v48;
	v0 =	vor.u32 $0x380, v0  }
.Ltmp3:
0x1ab: {  	v3 =	vmovc v9;
	v37 =	vmul.f32 v52, v37;
	v39 =	vadd.f32 v32, v39;
	v47 =	vor.u32 $0x100, v28;
	[tilespmem:s14+$0x80] =	vst v38;
	(pc) =	sbr.rel @p0 .LBB2_11-.Ltmp3, $4  }
0x1ac: {  	v12 =	vmovc v19;
	v4 =	vmovc v5;
	v46 =	vor.u32 $0x200, v17;
	v38 =	vor.u32 $0x280, v17;
	v48 =	vmul.f32 v16, v43;
	[tilespmem:s11+$0x300] =	vst v54  }
0x1ad: {  	v54 =	vadd.f32 v37, v56;
	v57 =	vmul.f32 v33, v43;
	v52 =	vadd.f32 v49, v39;
	v51 =	vld.idx.msk [tilespmem:v55+s20+$0x0], $0xffff  }
0x1ae: {  	v59 =	vmovc v10;
	v39 =	vor.u32 $0x280, v58;
	v43 =	vmul.f32 v5, v50;
	v42 =	vmul.f32 v62, v50;
	v37 =	vld.idx.msk [tilespmem:v53+s20+$0x0], $0xffff  }
0x1af: {  	s2 =	sadd.s32 $0x20, s2;
	[tilespmem:s12+$0x180] =	vst v54;
	v49 =	vadd.f32 v18, v57;
	v50 =	vadd.f32 v15, v48;
	v48 =	vor.u32 $0x280, v6;
	v40 =	vld.idx.msk [tilespmem:v0+s20+$0x0], $0xffff  }
0x1b0: {  	[tilespmem:s16+$0x80] =	vst v52  }
0x1b1: {  	v5 =	vld [tilespmem:$0x1FFF0];
	_ =	sdelay $0x2  }
0x1b2: {  	v0 =	vld.idx.msk [tilespmem:v45+s20+$0x0], $0xffff;
	_ =	sdelay $0x3  }
0x1b3: {  	v14 =	vld.idx.msk [tilespmem:v47+s20+$0x0], $0xffff  }
0x1b4: {  	v19 =	vmul.f32 v30, v0;
	v33 =	vld.idx.msk [tilespmem:v5+s20+$0x0], $0xffff  }
0x1b5: {  	v56 =	vmul.f32 v22, v51  }
0x1b6: {  	v0 =	vmul.f32 v29, v0;
	v47 =	vadd.f32 v31, v19  }
0x1b7: {  	v57 =	vmul.f32 v23, v51;
	v52 =	vadd.f32 v21, v56  }
0x1b8: {  	v53 =	vor.u32 $0x180, v27;
	v0 =	vadd.f32 v32, v0;
	v45 =	vmul.f32 v47, v14  }
0x1b9: {  	v9 =	vor.u32 $0x180, v26;
	v5 =	vadd.f32 v25, v57;
	v33 =	vmul.f32 v52, v33  }
0x1ba: {  	v0 =	vadd.f32 v45, v0  }
0x1bb: {  	v33 =	vadd.f32 v33, v5  }
0x1bc: {  	v10 =	vor.u32 $0x180, v28;
	[tilespmem:s16+$0x100] =	vst v0  }
0x1bd: {  	v14 =	vor.u32 $0x180, v24;
	v0 =	vld.idx.msk [tilespmem:v53+s20+$0x0], $0xffff;
	[tilespmem:s14+$0x100] =	vst v33  }
0x1be: {  	v19 =	vld.idx.msk [tilespmem:v9+s20+$0x0], $0xffff;
	_ =	sdelay $0x2  }
0x1bf: {  	v45 =	vld.idx.msk [tilespmem:v10+s20+$0x0], $0xffff  }
0x1c0: {  	v33 =	vld.idx.msk [tilespmem:v14+s20+$0x0], $0xffff;
	v56 =	vmul.f32 v30, v0  }
0x1c1: {  	v57 =	vmul.f32 v22, v19  }
0x1c2: {  	v0 =	vmul.f32 v29, v0;
	v51 =	vadd.f32 v31, v56  }
0x1c3: {  	v5 =	vor.u32 $0x200, v58;
	v47 =	vmul.f32 v23, v19;
	v52 =	vadd.f32 v21, v57  }
0x1c4: {  	v9 =	vor.u32 $0x200, v27;
	v0 =	vadd.f32 v32, v0;
	v45 =	vmul.f32 v51, v45  }
0x1c5: {  	v46 =	vld.idx.msk [tilespmem:v46+s20+$0x0], $0xffff;
	v10 =	vor.u32 $0x200, v26;
	v47 =	vadd.f32 v25, v47;
	v33 =	vmul.f32 v52, v33  }
0x1c6: {  	v0 =	vadd.f32 v45, v0  }
0x1c7: {  	v33 =	vadd.f32 v33, v47  }
0x1c8: {  	v14 =	vld.idx.msk [tilespmem:v5+s20+$0x0], $0xffff;
	v19 =	vor.u32 $0x200, v28;
	[tilespmem:s16+$0x180] =	vst v0  }
0x1c9: {  	v56 =	vor.u32 $0x200, v24;
	v0 =	vld.idx.msk [tilespmem:v9+s20+$0x0], $0xffff;
	[tilespmem:s14+$0x180] =	vst v33  }
0x1ca: {  	v5 =	vmul.f32 v60, v46;
	v57 =	vld.idx.msk [tilespmem:v10+s20+$0x0], $0xffff;
	_ =	sdelay $0x1  }
0x1cb: {  	v46 =	vmul.f32 v12, v46;
	v9 =	vadd.f32 v63, v5  }
0x1cc: {  	v44 =	vmul.f32 v50, v44;
	v47 =	vld.idx.msk [tilespmem:v19+s20+$0x0], $0xffff  }
0x1cd: {  	v46 =	vadd.f32 v20, v46;
	v45 =	vmul.f32 v9, v14;
	v33 =	vld.idx.msk [tilespmem:v56+s20+$0x0], $0xffff;
	v10 =	vmul.f32 v30, v0  }
0x1ce: {  	v44 =	vadd.f32 v44, v49;
	v19 =	vor.u32 $0x280, v13;
	v14 =	vmul.f32 v22, v57  }
0x1cf: {  	v45 =	vadd.f32 v45, v46;
	v0 =	vmul.f32 v29, v0;
	v53 =	vadd.f32 v31, v10  }
0x1d0: {  	[tilespmem:s13+$0x200] =	vst v44;
	v54 =	vmul.f32 v23, v57;
	v55 =	vadd.f32 v21, v14  }
0x1d1: {  	v56 =	vor.u32 $0x280, v27;
	[tilespmem:s12+$0x200] =	vst v45;
	v0 =	vadd.f32 v32, v0;
	v44 =	vmul.f32 v53, v47  }
0x1d2: {  	v38 =	vld.idx.msk [tilespmem:v38+s20+$0x0], $0xffff;
	v57 =	vor.u32 $0x280, v26;
	v46 =	vadd.f32 v25, v54;
	v33 =	vmul.f32 v55, v33  }
0x1d3: {  	v48 =	vld.idx.msk [tilespmem:v48+s20+$0x0], $0xffff;
	v0 =	vadd.f32 v44, v0  }
0x1d4: {  	v5 =	vld.idx.msk [tilespmem:v19+s20+$0x0], $0xffff;
	v33 =	vadd.f32 v33, v46  }
0x1d5: {  	v39 =	vld.idx.msk [tilespmem:v39+s20+$0x0], $0xffff;
	v10 =	vor.u32 $0x280, v28;
	[tilespmem:s16+$0x200] =	vst v0  }
0x1d6: {  	v14 =	vor.u32 $0x280, v24;
	v19 =	vld.idx.msk [tilespmem:v56+s20+$0x0], $0xffff;
	[tilespmem:s14+$0x200] =	vst v33  }
0x1d7: {  	v53 =	vmul.f32 v60, v38;
	v45 =	vld.idx.msk [tilespmem:v57+s20+$0x0], $0xffff  }
0x1d8: {  	v9 =	vmul.f32 v16, v48;
	v38 =	vmul.f32 v12, v38  }
0x1d9: {  	v52 =	vmul.f32 v11, v48;
	v54 =	vor.u32 $0x300, v13;
	v48 =	vadd.f32 v63, v53  }
0x1da: {  	v55 =	vor.u32 $0x300, v17;
	v47 =	vld.idx.msk [tilespmem:v10+s20+$0x0], $0xffff;
	v38 =	vadd.f32 v20, v38;
	v46 =	vadd.f32 v15, v9  }
0x1db: {  	v39 =	vmul.f32 v48, v39;
	v33 =	vadd.f32 v18, v52;
	v0 =	vld.idx.msk [tilespmem:v14+s20+$0x0], $0xffff;
	v50 =	vmul.f32 v30, v19  }
0x1dc: {  	v44 =	vmul.f32 v46, v5;
	v57 =	vor.u32 $0x300, v58;
	v56 =	vmul.f32 v22, v45  }
0x1dd: {  	v38 =	vadd.f32 v39, v38;
	v49 =	vmul.f32 v29, v19;
	v50 =	vadd.f32 v31, v50  }
0x1de: {  	v33 =	vadd.f32 v44, v33;
	v5 =	vmul.f32 v23, v45;
	v9 =	vadd.f32 v21, v56  }
0x1df: {  	v10 =	vor.u32 $0x300, v27;
	[tilespmem:s12+$0x280] =	vst v38;
	v14 =	vadd.f32 v32, v49;
	v47 =	vmul.f32 v50, v47  }
0x1e0: {  	v19 =	vor.u32 $0x300, v26;
	[tilespmem:s13+$0x280] =	vst v33;
	v44 =	vld.idx.msk [tilespmem:v55+s20+$0x0], $0xffff;
	v39 =	vadd.f32 v25, v5;
	v0 =	vmul.f32 v9, v0  }
0x1e1: {  	v36 =	vld.idx.msk [tilespmem:v36+s20+$0x0], $0xffff;
	v49 =	vadd.f32 v47, v14  }
0x1e2: {  	v46 =	vld.idx.msk [tilespmem:v54+s20+$0x0], $0xffff;
	v0 =	vadd.f32 v0, v39  }
0x1e3: {  	v52 =	vor.u32 $0x300, v28;
	v51 =	vld.idx.msk [tilespmem:v57+s20+$0x0], $0xffff;
	[tilespmem:s16+$0x280] =	vst v49  }
0x1e4: {  	v17 =	vor.u32 $0x380, v17;
	v53 =	vor.u32 $0x300, v24;
	v33 =	vld.idx.msk [tilespmem:v10+s20+$0x0], $0xffff;
	[tilespmem:s14+$0x280] =	vst v0  }
0x1e5: {  	v50 =	vadd.f32 v2, v43;
	v56 =	vmul.f32 v60, v44;
	v5 =	vmul.f32 v12, v44;
	v38 =	vld.idx.msk [tilespmem:v19+s20+$0x0], $0xffff  }
0x1e6: {  	v54 =	vadd.f32 v8, v42;
	v55 =	vmul.f32 v16, v36;
	v36 =	vmul.f32 v11, v36  }
0x1e7: {  	v42 =	vadd.f32 v63, v56;
	v49 =	vadd.f32 v20, v5;
	v39 =	vmul.f32 v50, v41  }
0x1e8: {  	v14 =	vld.idx.msk [tilespmem:v52+s20+$0x0], $0xffff;
	v56 =	vmul.f32 v3, v40;
	v57 =	vadd.f32 v15, v55;
	v36 =	vadd.f32 v18, v36  }
0x1e9: {  	v50 =	vmul.f32 v42, v51;
	v0 =	vadd.f32 v39, v54;
	v45 =	vld.idx.msk [tilespmem:v53+s20+$0x0], $0xffff;
	v48 =	vmul.f32 v30, v33  }
0x1ea: {  	v39 =	vmul.f32 v57, v46;
	v54 =	vor.u32 $0x380, v27;
	v51 =	vmul.f32 v22, v38  }
0x1eb: {  	v19 =	vor.u32 $0x380, v6;
	v33 =	vmul.f32 v29, v33;
	v52 =	vadd.f32 v31, v48  }
0x1ec: {  	[tilespmem:s9+$0x300] =	vst v0;
	v0 =	vadd.f32 v50, v49;
	v38 =	vmul.f32 v23, v38;
	v53 =	vadd.f32 v21, v51  }
0x1ed: {  	v36 =	vadd.f32 v39, v36;
	v35 =	vld.idx.msk [tilespmem:v35+s20+$0x0], $0xffff;
	v33 =	vadd.f32 v32, v33;
	v39 =	vmul.f32 v52, v14  }
0x1ee: {  	v55 =	vor.u32 $0x380, v26;
	[tilespmem:s12+$0x300] =	vst v0;
	v38 =	vadd.f32 v25, v38;
	v41 =	vmul.f32 v53, v45  }
0x1ef: {  	v1 =	vmul.f32 v1, v40;
	[tilespmem:s13+$0x300] =	vst v36;
	v36 =	vor.u32 $0x380, v58;
	v40 =	vld.idx.msk [tilespmem:v17+s20+$0x0], $0xffff;
	v33 =	vadd.f32 v39, v33  }
0x1f0: {  	v5 =	vadd.f32 v59, v56;
	v57 =	vor.u32 $0x380, v13;
	v19 =	vld.idx.msk [tilespmem:v19+s20+$0x0], $0xffff;
	v39 =	vadd.f32 v41, v38  }
0x1f1: {  	v46 =	vadd.f32 v7, v1;
	v34 =	vld.idx.msk [tilespmem:v34+s20+$0x0], $0xffff;
	[tilespmem:s16+$0x300] =	vst v33;
	v41 =	vor.u32 $0x380, v28  }
0x1f2: {  	v44 =	vor.u32 $0x380, v24;
	v47 =	vmul.f32 v5, v37;
	v9 =	vmul.f32 v4, v35;
	v45 =	vld.idx.msk [tilespmem:v54+s20+$0x0], $0xffff;
	[tilespmem:s14+$0x300] =	vst v39  }
0x1f3: {  	v10 =	vmov v20;
	v42 =	vmov v2;
	v43 =	vmul.f32 v62, v35;
	v48 =	vld.idx.msk [tilespmem:v55+s20+$0x0], $0xffff  }
0x1f4: {  	v0 =	vadd.f32 v47, v46;
	v13 =	vld.idx.msk [tilespmem:v36+s20+$0x0], $0xffff;
	v3 =	vadd.f32 v42, v9;
	v6 =	vmul.f32 v60, v40  }
0x1f5: {  	v49 =	vld.idx.msk [tilespmem:v57+s20+$0x0], $0xffff;
	v2 =	vadd.f32 v8, v43;
	v50 =	vmul.f32 v16, v19;
	v51 =	vmul.f32 v11, v19  }
0x1f6: {  	v52 =	vmul.f32 v12, v40;
	v3 =	vmul.f32 v3, v34;
	v6 =	vadd.f32 v63, v6;
	v9 =	vld.idx.msk [tilespmem:v41+s20+$0x0], $0xffff  }
0x1f7: {  	v1 =	vadd.f32 v15, v50;
	v8 =	vadd.f32 v18, v51;
	v4 =	vld.idx.msk [tilespmem:v44+s20+$0x0], $0xffff;
	v53 =	vmul.f32 v30, v45  }
0x1f8: {  	v2 =	vadd.f32 v3, v2;
	v3 =	vadd.f32 v10, v52;
	v54 =	vmul.f32 v22, v48  }
0x1f9: {  	v6 =	vmul.f32 v6, v13;
	v55 =	vmul.f32 v29, v45;
	v11 =	vadd.f32 v31, v53  }
0x1fa: {  	v1 =	vmul.f32 v1, v49;
	v5 =	vmul.f32 v23, v48;
	v10 =	vadd.f32 v21, v54  }
0x1fb: {  	s4 =	sadd.s32 $0x1, s4;
	[tilespmem:s11+$0x380] =	vst v0;
	v59 =	vadd.f32 v6, v3;
	v57 =	vadd.f32 v32, v55;
	v58 =	vmul.f32 v11, v9  }
0x1fc: {  	p0 =	seq.s32 s4, $0x4;
	[tilespmem:s9+$0x380] =	vst v2;
	v56 =	vadd.f32 v1, v8;
	v60 =	vadd.f32 v25, v5;
	v4 =	vmul.f32 v10, v4  }
.Ltmp4:
0x1fd: {  	[tilespmem:s12+$0x380] =	vst v59;
	v62 =	vadd.f32 v58, v57;
	(pc) =	sbr.rel @!p0 .LBB2_10-.Ltmp4, $4  }
0x1fe: {  	[tilespmem:s13+$0x380] =	vst v56;
	v63 =	vadd.f32 v4, v60  }
0x1ff: {  	s0 =	sadd.s32 s19, s6;
	[tilespmem:s16+$0x380] =	vst v62  }
0x200: {  	s25 =	sadd.s32 $0x800, s25;
	s26 =	sadd.s32 $0x800, s26;
	s3 =	sadd.s32 $0x800, s3;
	[tilespmem:s14+$0x380] =	vst v63  }
0x201: {  	[hbm4b:s0+s7] =	stream.linear.scatter [tilespmem:s5], [sflag:$0x2], $0x4000, $0x38;
	[tilespmem:$0x1F000] =	vst v63  }
0x202: {  	p0 =	seq.s32 s31, $0x10  }
.Ltmp5:
0x203: {  	_ = 	snop;
	(pc) =	sbr.rel @!p0 .LBB2_9-.Ltmp5, $1  }
0x204: {  	_ =	sdelay $0x3  }
0x205: {  	s1 =	simm.s32 $0x2  }
0x206: {  	_ =	swait.ge [sflag:s1], $0x4000  }
0x207: {  	[sflag:s1] =	ssyncset.done $0x0  }
0x208: {  	[sflag:s1] =	ssyncadd.s32 $0xFFFFC000  }
0x209: {  	_ =	swait.ge [sflag:s1], $0x4000  }
0x20a: {  	s2 =	rddreg [dreg:$0x12]  }
0x20b: {  	s0 =	rddreg [dreg:$0x11];
	s2 =	sadd.s32 $0x1, s2  }
0x20c: {  	p0 =	sne.s32 s2, s0  }
.Ltmp6:
0x20d: {  	_ = 	snop;
	(pc) =	sbr.rel @p0 .LBB2_1-.Ltmp6, $4  }
0x20e: {  	_ = 	snop  }
0x20f: {  	[sflag:s1] =	ssyncset.done $0x0;
	s6 =	rddreg [dreg:$0xe]  }
0x210: {  	s11 =	rddreg [dreg:$0x10];
	[sflag:s1] =	ssyncadd.s32 $0xFFFFC000  }
0x211: {  	s12 =	simm.s32 $0x400;
	s13 =	simm.s32 $0x10000;
	s9 =	rddreg [dreg:$0x1]  }
0x212: {  	_ =	sfence.sel $0x180000  }
0x213: {  	[bflag:$0x0] =	sbarrier.arrive $0xFFFF  }
0x214: {  	_ =	strace $0x90000047  }
0x215: {  	s0 =	stileid.u32;
	[bflag:$0x2] =	sbarrier.arrive $0xFFFF  }
0x216: {  	p0 =	sne.s32 s0, $0x0;
	s0 =	rddreg [dreg:$0x8]  }
0x217: {  	s0 =	sadd.s32 @!p0 $0x100000, s0  }
0x218: {  	[sflag:s0] =	ssyncadd.tile.s32 @!p0 $0x1;
	_ =	shalt  }
.Lfunc_end2:
_tile_overlayer_lowered:
.L_overlay_start_2:
0x219: {  	(tag) =	ssettag $0x2  }
0x21a: {  	s0 =	rddreg [dreg:$0x0];
	s2 =	stileid.u32  }
0x21b: {  	s1 =	rddreg [dreg:$0x1];
	p0 =	sne.s32 s2, $0x0  }
0x21c: {  	s3 =	rddreg [dreg:$0x2];
	[bflag:$0x3] =	sbarrier.arrive $0xFFFF;
	s2 =	simm.s32 @!p0 $0x1C03  }
0x21d: {  	[timem:s3], [sflag:s2] =	dma.local @!p0 [hbm:s0], s1  }
0x21e: {  	s0 =	simm.s32 @!p0 $0x3  }
0x21f: {  	_ =	swait.ge @!p0 [sflag:s0], s1  }
0x220: {  	s1 =	ssub.s32 @!p0 $0x0, s1;
	[sflag:s0] =	ssyncset.done @!p0 $0x0  }
0x221: {  	[sflag:s0] =	ssyncadd.s32 @!p0 s1  }
0x222: {  	[bflag:$0x3] =	sbarrier.arrive $0xFFFF  }
0x223: {  	_ =	shalt  }

</sc_bundles>
